<compile_context>
chip_gen: v7x
topology: tpu7x:2x2x1
jax: 0.10.2.dev20260603
libtpu: 0.0.44.dev20260713+nightly
codegen_flags: <defaults>
</compile_context>

<pallas_src>
import functools

import jax
import jax.numpy as jnp
from jax import lax
from jax.experimental import pallas as pl
from jax.experimental.pallas import tpu as pltpu
from jax.experimental.pallas import tpu_sc as plsc

NC, NS, L = 2, 16, 16
NW = NC * NS
CHUNK = 128


def _sc_mesh():
    return plsc.VectorSubcoreMesh(
        core_axis_name="c", subcore_axis_name="s", num_cores=NC, num_subcores=NS)


def _make_degree_kernel(chunks, nodes_pad):
    rows_per_tile = nodes_pad // NS

    @functools.partial(
        pl.kernel,
        out_type=jax.ShapeDtypeStruct((NC, nodes_pad), jnp.float32),
        mesh=_sc_mesh(),
        scratch_types=[
            pltpu.VMEM((chunks, CHUNK), jnp.int32),
            pltpu.VMEM((CHUNK,), jnp.float32),
            pltpu.VMEM((rows_per_tile,), jnp.float32),
            pltpu.VMEM_SHARED((nodes_pad,), jnp.float32),
            pltpu.SemaphoreType.DMA,
        ],
    )
    def deg_kernel(dst_hbm, deg_hbm, dst_v, ones_v, stage_v, acc_sh, sem):
        cid = lax.axis_index("c")
        sid = lax.axis_index("s")
        wid = sid * NC + cid
        for t in range(CHUNK // L):
            ones_v[pl.ds(t * L, L)] = jnp.ones((L,), jnp.float32)

        def zero_body(i, _):
            stage_v[pl.ds(i * L, L)] = jnp.zeros((L,), jnp.float32)
            return 0

        lax.fori_loop(0, rows_per_tile // L, zero_body, 0)
        base = sid * rows_per_tile
        pltpu.sync_copy(stage_v, acc_sh.at[pl.ds(base, rows_per_tile)])
        plsc.subcore_barrier()
        pltpu.sync_copy(dst_hbm.at[wid], dst_v)

        def body(j, _):
            pltpu.sync_copy(ones_v, acc_sh.at[dst_v.at[j]], add=True)
            return 0

        lax.fori_loop(0, chunks, body, 0)
        plsc.subcore_barrier()
        pltpu.sync_copy(acc_sh.at[pl.ds(base, rows_per_tile)], stage_v)
        pltpu.sync_copy(stage_v, deg_hbm.at[cid, pl.ds(base, rows_per_tile)])

    return deg_kernel


def _make_aggregate_kernel(chunks, nodes_pad, c):
    rows_per_tile = nodes_pad // NS

    @functools.partial(
        pl.kernel,
        out_type=jax.ShapeDtypeStruct((NC, nodes_pad, c), jnp.float32),
        mesh=_sc_mesh(),
        scratch_types=[
            pltpu.VMEM((chunks, CHUNK), jnp.int32),
            pltpu.VMEM((chunks, CHUNK), jnp.int32),
            pltpu.VMEM((CHUNK, c), jnp.float32),
            pltpu.VMEM_SHARED((nodes_pad, c), jnp.float32),
            pltpu.SemaphoreType.DMA,
        ],
    )
    def agg_kernel(xs_hbm, src_hbm, dst_hbm, part_hbm,
                   src_v, dst_v, rows0_v, acc_sh, sem0):
        cid = lax.axis_index("c")
        sid = lax.axis_index("s")
        wid = sid * NC + cid

        def zero_body(i, _):
            for t in range(c // L):
                rows0_v[i, pl.ds(t * L, L)] = jnp.zeros((L,), jnp.float32)
            return 0

        lax.fori_loop(0, CHUNK, zero_body, 0)
        base = sid * rows_per_tile
        for t in range(rows_per_tile // CHUNK):
            pltpu.sync_copy(rows0_v, acc_sh.at[pl.ds(base + t * CHUNK, CHUNK)])
        plsc.subcore_barrier()

        pltpu.sync_copy(src_hbm.at[wid], src_v)
        pltpu.sync_copy(dst_hbm.at[wid], dst_v)

        def body(j, _):
            pltpu.async_copy(xs_hbm.at[src_v.at[j]], rows0_v, sem0).wait()
            pltpu.sync_copy(rows0_v, acc_sh.at[dst_v.at[j]], add=True)
            return 0

        lax.fori_loop(0, chunks, body, 0)
        plsc.subcore_barrier()
        for t in range(rows_per_tile // CHUNK):
            pltpu.sync_copy(acc_sh.at[pl.ds(base + t * CHUNK, CHUNK)], rows0_v)
            pltpu.sync_copy(rows0_v, part_hbm.at[cid, pl.ds(base + t * CHUNK, CHUNK)])

    return agg_kernel


def _dense_body(n_real, nodes_pad, c, k,
                x_ref, xr_ref, p_ref, pr_ref, w0_ref, gwi_ref, gwh_ref,
                gbi_ref, gbh_ref, deg_ref, xs_ref, dis_ref, xt_ref, z2d_ref):
    nb = nodes_pad // CHUNK
    z_row = lax.dot_general(pr_ref[...], xr_ref[...], (((1,), (1,)), ((), ())))
    for r2 in range(nb):
        z2d_ref[r2:r2 + 1, :] = z_row[:, r2 * CHUNK:(r2 + 1) * CHUNK]
    z2d = z2d_ref[...]
    flat = (lax.broadcasted_iota(jnp.int32, (nb, CHUNK), 0) * CHUNK
            + lax.broadcasted_iota(jnp.int32, (nb, CHUNK), 1))
    z2d = jnp.where(flat >= n_real, -jnp.inf, z2d)
    pn = jnp.sqrt(jnp.sum(p_ref[0, :] * p_ref[0, :]))
    inv_pn = 1.0 / pn

    def tk_body(j, z):
        m = jnp.max(z)
        sel = jnp.where(z == m, flat, jnp.int32(1 << 30))
        fidx = jnp.min(sel)
        val = jnp.tanh(m * inv_pn)
        xt_ref[pl.ds(j, 1), :] = x_ref[pl.ds(fidx, 1), :] * val
        return jnp.where(sel == fidx, -jnp.inf, z)

    lax.fori_loop(0, k, tk_body, z2d)
    x_tilde = xt_ref[...]

    dims = (((1,), (1,)), ((), ()))
    gi = lax.dot_general(x_tilde, gwi_ref[...], dims) + gbi_ref[...]
    gh = lax.dot_general(w0_ref[...], gwh_ref[...], dims) + gbh_ref[...]
    i_r, i_z, i_n = gi[:, :c], gi[:, c:2 * c], gi[:, 2 * c:]
    h_r, h_z, h_n = gh[:, :c], gh[:, c:2 * c], gh[:, 2 * c:]
    r = jax.nn.sigmoid(i_r + h_r)
    zz = jax.nn.sigmoid(i_z + h_z)
    nn_ = jnp.tanh(i_n + r * h_n)
    w_ev = (1.0 - zz) * nn_ + zz * w0_ref[...]

    xw = lax.dot_general(x_ref[...], w_ev, (((1,), (0,)), ((), ())))
    deg = deg_ref[0] + deg_ref[1] + 1.0
    dis = lax.rsqrt(deg)
    xs_ref[...] = xw * dis
    dis_ref[...] = dis


def _head_body(part_ref, xs_ref, dis_ref, lw_ref, lb_ref, y_ref):
    t = part_ref[0] + part_ref[1] + xs_ref[...]
    h = jnp.maximum(t * dis_ref[...], 0.0)
    y = jnp.sum(h * lw_ref[...], axis=1, keepdims=True)
    y_ref[...] = y + lb_ref[0, 0]


def kernel(x, edge_index, p, W_init, gru_Wi, gru_Wh, gru_bi, gru_bh, lin_w, lin_b):
    n, c = x.shape
    k = c
    e = edge_index.shape[1]
    nodes_pad = ((n + 1 + NS * CHUNK - 1) // (NS * CHUNK)) * (NS * CHUNK)
    chunks = (e + NW * CHUNK - 1) // (NW * CHUNK)
    chunks += chunks % 2
    e_pad = NW * chunks * CHUNK

    src = edge_index[0].astype(jnp.int32)
    dst = edge_index[1].astype(jnp.int32)
    pad = jnp.full((e_pad - e,), n, jnp.int32)
    src_p = jnp.concatenate([src, pad]).reshape(NW, chunks, CHUNK)
    dst_p = jnp.concatenate([dst, pad]).reshape(NW, chunks, CHUNK)

    xpad = jnp.pad(x, ((0, nodes_pad - n), (0, 0)))
    xr = xpad.astype(jnp.bfloat16).astype(jnp.float32)
    p_round = p.astype(jnp.bfloat16).astype(jnp.float32)

    deg_parts = _make_degree_kernel(chunks, nodes_pad)(dst_p)
    deg3 = deg_parts.reshape(NC, nodes_pad, 1)

    xs, dis = pl.pallas_call(
        functools.partial(_dense_body, n, nodes_pad, c, k),
        out_shape=[
            jax.ShapeDtypeStruct((nodes_pad, c), jnp.float32),
            jax.ShapeDtypeStruct((nodes_pad, 1), jnp.float32),
        ],
        scratch_shapes=[pltpu.VMEM((k, c), jnp.float32),
                        pltpu.VMEM((nodes_pad // CHUNK, CHUNK), jnp.float32)],
    )(xpad, xr, p.reshape(1, c), p_round.reshape(1, c), W_init, gru_Wi, gru_Wh,
      gru_bi.reshape(1, 3 * c), gru_bh.reshape(1, 3 * c), deg3)

    parts = _make_aggregate_kernel(chunks, nodes_pad, c)(xs, src_p, dst_p)

    y = pl.pallas_call(
        _head_body,
        out_shape=jax.ShapeDtypeStruct((nodes_pad, 1), jnp.float32),
    )(parts, xs, dis, lin_w, lin_b.reshape(1, 1))
    return y[:n]

# --- scband reference (transcript-rebuilt; emitter-appended) ---
"""Pipeline reference for scband-evolve-gcn-h-41403484733449 (READ-ONLY COPY).

The authoritative reference and input builder live on the scoring server;
editing this copy changes nothing except your own understanding.
"""

import jax, jax.numpy as jnp
import numpy as np

N = 10000
C = 128
E = 320000


def setup_inputs(seed: int = 0) -> dict:
    key = jax.random.key(seed)
    ks = jax.random.split(key, 12)
    x = jax.random.normal(ks[0], (N, C), dtype=jnp.float32)
    edge_index = jax.random.randint(ks[1], (2, E), 0, N, dtype=jnp.int64)
    # TopKPooling attention vector p (in_channels=C)
    p = jax.random.normal(ks[2], (C,), dtype=jnp.float32) * 0.1
    # EvolveGCNH initial weight (1, C, C) -> squeezed (C, C)
    W_init = jax.random.normal(ks[3], (C, C), dtype=jnp.float32) * 0.05
    # GRU(input=C, hidden=C) params
    gru_Wi = jax.random.normal(ks[4], (3 * C, C), dtype=jnp.float32) * 0.05
    gru_Wh = jax.random.normal(ks[5], (3 * C, C), dtype=jnp.float32) * 0.05
    gru_bi = jax.random.normal(ks[6], (3 * C,), dtype=jnp.float32) * 0.05
    gru_bh = jax.random.normal(ks[7], (3 * C,), dtype=jnp.float32) * 0.05
    # final Linear(C, 1)
    lin_w = jax.random.normal(ks[8], (1, C), dtype=jnp.float32) * 0.05
    lin_b = jax.random.normal(ks[9], (1,), dtype=jnp.float32) * 0.05
    return {"x": x, "edge_index": edge_index, "p": p, "W_init": W_init,
            "gru_Wi": gru_Wi, "gru_Wh": gru_Wh, "gru_bi": gru_bi, "gru_bh": gru_bh,
            "lin_w": lin_w, "lin_b": lin_b}


def reference(x, edge_index, p, W_init, gru_Wi, gru_Wh, gru_bi, gru_bh, lin_w, lin_b):
    n_nodes = x.shape[0]
    c = p.shape[0]
    # ---- TopKPooling: score = tanh(x @ p / ||p||); keep top k = ceil(C/N * n_nodes) = C nodes ----
    score = jnp.tanh((x @ p) / jnp.linalg.norm(p))
    k = c  # ceil((C / num_of_nodes) * n_nodes) with n_nodes == num_of_nodes
    topv, perm = jax.lax.top_k(score, k)
    x_tilde = x[perm] * topv[:, None]  # [C, C]
    # ---- GRU single step: input x_tilde (batch=C, in=C), hidden W_init (C, C) ----
    gi = x_tilde @ gru_Wi.T + gru_bi
    gh = W_init @ gru_Wh.T + gru_bh
    i_r, i_z, i_n = jnp.split(gi, 3, axis=1)
    h_r, h_z, h_n = jnp.split(gh, 3, axis=1)
    r = jax.nn.sigmoid(i_r + h_r)
    z = jax.nn.sigmoid(i_z + h_z)
    nn_ = jnp.tanh(i_n + r * h_n)
    W = (1.0 - z) * nn_ + z * W_init  # evolved GCN weight [C, C]
    # ---- GCNConv with fixed (evolved) W: gcn_norm with self-loops, then propagate ----
    src = edge_index[0]
    dst = edge_index[1]
    loop = jnp.arange(n_nodes, dtype=edge_index.dtype)
    src_full = jnp.concatenate([src, loop])
    dst_full = jnp.concatenate([dst, loop])
    ew = jnp.ones(src_full.shape[0], dtype=x.dtype)
    deg = jax.ops.segment_sum(ew, dst_full, num_segments=n_nodes)
    dis = jnp.where(deg > 0, jax.lax.rsqrt(jnp.maximum(deg, 1e-12)), 0.0)
    norm = dis[src_full] * ew * dis[dst_full]
    xw = x @ W
    msgs = xw[src_full] * norm[:, None]
    out = jax.ops.segment_sum(msgs, dst_full, num_segments=n_nodes)
    # ---- relu + linear head ----
    h = jax.nn.relu(out)
    return h @ lin_w.T + lin_b

if __name__ == "__main__":
    import jax
    _d = setup_inputs()
    print(jax.jit(kernel)(*tuple(_d.values())))

</pallas_src>

<mosaic_0001>
#map = affine_map<(d0, d1) -> (0, 0, 0)>
#map1 = affine_map<(d0, d1) -> (0, 0)>
module attributes {stable_mosaic.version = 14 : i64} {
  func.func @deg_kernel(%arg0: i32, %arg1: i32, %arg2: memref<32x80x128xi32, #tpu.memory_space<hbm>>, %arg3: memref<2x10240xf32, #tpu.memory_space<hbm>>, %arg4: memref<80x128xi32, #tpu.memory_space<vmem>>, %arg5: memref<128xf32, #tpu.memory_space<vmem>>, %arg6: memref<640xf32, #tpu.memory_space<vmem>>, %arg7: memref<10240xf32, #tpu.memory_space<vmem_shared>>, %arg8: memref<!tpu.dma_semaphore, #tpu.memory_space<semaphore_mem>>) attributes {dimension_semantics = [#tpu.dimension_semantics<core_parallel>, #tpu.dimension_semantics<subcore_parallel>], iteration_bounds = array<i64: 2, 16>, scalar_prefetch = 0 : i64, scratch_operands = 5 : i64, tpu.core_type = #tpu.core_type<sc_vector_subcore>, window_params = [{transform_indices = #map}, {transform_indices = #map1}]} {
    %mul3A = arith.constant 2 : i32
    %mul3A_0 = arith.muli %arg1, %mul3A : i32
    %add3A = arith.addi %mul3A_0, %arg0 : i32
    %broadcast_in_dim3A = arith.constant 1.000000e+00 : f32
    %broadcast_in_dim3A_1 = vector.broadcast %broadcast_in_dim3A : f32 to vector<16xf32>
    %swap3A = arith.constant 0 : index
    %swap3A_2 = tpu.vector_load %arg5[%swap3A] {strides = array<i32>} : memref<128xf32, #tpu.memory_space<vmem>>, vector<16xf32>,
    %swap3A_3 = vector.shape_cast %swap3A_2 : vector<16xf32> to vector<16xf32>
    %swap3A_4 = vector.shape_cast %broadcast_in_dim3A_1 : vector<16xf32> to vector<16xf32>
    tpu.vector_store %arg5[%swap3A], %swap3A_4 {strides = array<i32>} : memref<128xf32, #tpu.memory_space<vmem>>, vector<16xf32>,
    %broadcast_in_dim3A_5 = arith.constant 1.000000e+00 : f32
    %broadcast_in_dim3A_6 = vector.broadcast %broadcast_in_dim3A_5 : f32 to vector<16xf32>
    %swap3A_7 = arith.constant 16 : index
    %swap3A_8 = tpu.vector_load %arg5[%swap3A_7] {strides = array<i32>} : memref<128xf32, #tpu.memory_space<vmem>>, vector<16xf32>,
    %swap3A_9 = vector.shape_cast %swap3A_8 : vector<16xf32> to vector<16xf32>
    %swap3A_10 = vector.shape_cast %broadcast_in_dim3A_6 : vector<16xf32> to vector<16xf32>
    tpu.vector_store %arg5[%swap3A_7], %swap3A_10 {strides = array<i32>} : memref<128xf32, #tpu.memory_space<vmem>>, vector<16xf32>,
    %broadcast_in_dim3A_11 = arith.constant 1.000000e+00 : f32
    %broadcast_in_dim3A_12 = vector.broadcast %broadcast_in_dim3A_11 : f32 to vector<16xf32>
    %swap3A_13 = arith.constant 32 : index
    %swap3A_14 = tpu.vector_load %arg5[%swap3A_13] {strides = array<i32>} : memref<128xf32, #tpu.memory_space<vmem>>, vector<16xf32>,
    %swap3A_15 = vector.shape_cast %swap3A_14 : vector<16xf32> to vector<16xf32>
    %swap3A_16 = vector.shape_cast %broadcast_in_dim3A_12 : vector<16xf32> to vector<16xf32>
    tpu.vector_store %arg5[%swap3A_13], %swap3A_16 {strides = array<i32>} : memref<128xf32, #tpu.memory_space<vmem>>, vector<16xf32>,
    %broadcast_in_dim3A_17 = arith.constant 1.000000e+00 : f32
    %broadcast_in_dim3A_18 = vector.broadcast %broadcast_in_dim3A_17 : f32 to vector<16xf32>
    %swap3A_19 = arith.constant 48 : index
    %swap3A_20 = tpu.vector_load %arg5[%swap3A_19] {strides = array<i32>} : memref<128xf32, #tpu.memory_space<vmem>>, vector<16xf32>,
    %swap3A_21 = vector.shape_cast %swap3A_20 : vector<16xf32> to vector<16xf32>
    %swap3A_22 = vector.shape_cast %broadcast_in_dim3A_18 : vector<16xf32> to vector<16xf32>
    tpu.vector_store %arg5[%swap3A_19], %swap3A_22 {strides = array<i32>} : memref<128xf32, #tpu.memory_space<vmem>>, vector<16xf32>,
    %broadcast_in_dim3A_23 = arith.constant 1.000000e+00 : f32
    %broadcast_in_dim3A_24 = vector.broadcast %broadcast_in_dim3A_23 : f32 to vector<16xf32>
    %swap3A_25 = arith.constant 64 : index
    %swap3A_26 = tpu.vector_load %arg5[%swap3A_25] {strides = array<i32>} : memref<128xf32, #tpu.memory_space<vmem>>, vector<16xf32>,
    %swap3A_27 = vector.shape_cast %swap3A_26 : vector<16xf32> to vector<16xf32>
    %swap3A_28 = vector.shape_cast %broadcast_in_dim3A_24 : vector<16xf32> to vector<16xf32>
    tpu.vector_store %arg5[%swap3A_25], %swap3A_28 {strides = array<i32>} : memref<128xf32, #tpu.memory_space<vmem>>, vector<16xf32>,
    %broadcast_in_dim3A_29 = arith.constant 1.000000e+00 : f32
    %broadcast_in_dim3A_30 = vector.broadcast %broadcast_in_dim3A_29 : f32 to vector<16xf32>
    %swap3A_31 = arith.constant 80 : index
    %swap3A_32 = tpu.vector_load %arg5[%swap3A_31] {strides = array<i32>} : memref<128xf32, #tpu.memory_space<vmem>>, vector<16xf32>,
    %swap3A_33 = vector.shape_cast %swap3A_32 : vector<16xf32> to vector<16xf32>
    %swap3A_34 = vector.shape_cast %broadcast_in_dim3A_30 : vector<16xf32> to vector<16xf32>
    tpu.vector_store %arg5[%swap3A_31], %swap3A_34 {strides = array<i32>} : memref<128xf32, #tpu.memory_space<vmem>>, vector<16xf32>,
    %broadcast_in_dim3A_35 = arith.constant 1.000000e+00 : f32
    %broadcast_in_dim3A_36 = vector.broadcast %broadcast_in_dim3A_35 : f32 to vector<16xf32>
    %swap3A_37 = arith.constant 96 : index
    %swap3A_38 = tpu.vector_load %arg5[%swap3A_37] {strides = array<i32>} : memref<128xf32, #tpu.memory_space<vmem>>, vector<16xf32>,
    %swap3A_39 = vector.shape_cast %swap3A_38 : vector<16xf32> to vector<16xf32>
    %swap3A_40 = vector.shape_cast %broadcast_in_dim3A_36 : vector<16xf32> to vector<16xf32>
    tpu.vector_store %arg5[%swap3A_37], %swap3A_40 {strides = array<i32>} : memref<128xf32, #tpu.memory_space<vmem>>, vector<16xf32>,
    %broadcast_in_dim3A_41 = arith.constant 1.000000e+00 : f32
    %broadcast_in_dim3A_42 = vector.broadcast %broadcast_in_dim3A_41 : f32 to vector<16xf32>
    %swap3A_43 = arith.constant 112 : index
    %swap3A_44 = tpu.vector_load %arg5[%swap3A_43] {strides = array<i32>} : memref<128xf32, #tpu.memory_space<vmem>>, vector<16xf32>,
    %swap3A_45 = vector.shape_cast %swap3A_44 : vector<16xf32> to vector<16xf32>
    %swap3A_46 = vector.shape_cast %broadcast_in_dim3A_42 : vector<16xf32> to vector<16xf32>
    tpu.vector_store %arg5[%swap3A_43], %swap3A_46 {strides = array<i32>} : memref<128xf32, #tpu.memory_space<vmem>>, vector<16xf32>,
    %scan3A = arith.constant 0 : i32
    %scan3A_47 = arith.constant 0 : i32
    %scan3A_48 = arith.constant 40 : i32
    %scan3A_49 = arith.addi %scan3A_47, %scan3A_48 : i32
    %scan3A_50 = arith.constant 1 : i32
    %scan3A_51 = scf.for %scan3A_63 = %scan3A_47 to %scan3A_49 step %scan3A_50 iter_args(%scan3A_64 = %scan3A) -> (i32)  : i32 {
      %broadcast_in_dim3A_65 = arith.constant 0.000000e+00 : f32
      %broadcast_in_dim3A_66 = vector.broadcast %broadcast_in_dim3A_65 : f32 to vector<16xf32>
      %mul3A_67 = arith.constant 16 : i32
      %mul3A_68 = arith.muli %scan3A_63, %mul3A_67 : i32
      %swap3A_69 = arith.index_cast %mul3A_68 : i32 to index
      %swap3A_70 = tpu.vector_load %arg6[%swap3A_69] {strides = array<i32>} : memref<640xf32, #tpu.memory_space<vmem>>, vector<16xf32>,
      %swap3A_71 = vector.shape_cast %swap3A_70 : vector<16xf32> to vector<16xf32>
      %swap3A_72 = vector.shape_cast %broadcast_in_dim3A_66 : vector<16xf32> to vector<16xf32>
      tpu.vector_store %arg6[%swap3A_69], %swap3A_72 {strides = array<i32>} : memref<640xf32, #tpu.memory_space<vmem>>, vector<16xf32>,
      %scan3A_73 = arith.constant 0 : i32
      scf.yield %scan3A_73 : i32
    }
    %scan3A_52 = arith.constant 40 : i32
    %mul3A_53 = arith.constant 640 : i32
    %mul3A_54 = arith.muli %arg1, %mul3A_53 : i32
    "tpu.region"() ({
      %run_scoped3A = tpu.sem_alloc : memref<!tpu.dma_semaphore, #tpu.memory_space<semaphore_mem>>
      %dma_start3A = tpu.memref_slice %arg7[%mul3A_54] : memref<10240xf32, #tpu.memory_space<vmem_shared>> -> memref<640xf32, #tpu.memory_space<vmem_shared>>
      %dma_start3A_63 = tpu.memref_slice %arg7[%mul3A_54] : memref<10240xf32, #tpu.memory_space<vmem_shared>> -> memref<640xf32, #tpu.memory_space<vmem_shared>>
      tpu.enqueue_dma source(%arg6 : memref<640xf32, #tpu.memory_space<vmem>>) target(%dma_start3A_63 : memref<640xf32, #tpu.memory_space<vmem_shared>>) target_semaphore(%run_scoped3A : memref<!tpu.dma_semaphore, #tpu.memory_space<semaphore_mem>>)
      %dma_wait3A = tpu.memref_slice %arg7[%mul3A_54] : memref<10240xf32, #tpu.memory_space<vmem_shared>> -> memref<640xf32, #tpu.memory_space<vmem_shared>>
      %dma_wait3A_64 = tpu.memref_slice %arg7[%mul3A_54] : memref<10240xf32, #tpu.memory_space<vmem_shared>> -> memref<640xf32, #tpu.memory_space<vmem_shared>>
      tpu.wait_dma2 semaphore(%run_scoped3A : memref<!tpu.dma_semaphore, #tpu.memory_space<semaphore_mem>>) src(%arg6 : memref<640xf32, #tpu.memory_space<vmem>>) dst(%dma_wait3A_64 : memref<640xf32, #tpu.memory_space<vmem_shared>>)
      tpu.yield
    }) : () -> ()
    %barrier3A = arith.constant 0 : index
    tpu.barrier barrier_id(%barrier3A)
    "tpu.region"() ({
      %run_scoped3A = tpu.sem_alloc : memref<!tpu.dma_semaphore, #tpu.memory_space<semaphore_mem>>
      %dma_start3A = arith.constant 0 : i32
      %dma_start3A_63 = arith.constant 0 : i32
      %dma_start3A_64 = tpu.memref_slice %arg2[%add3A, %dma_start3A, %dma_start3A_63] : memref<32x80x128xi32, #tpu.memory_space<hbm>> -> memref<1x80x128xi32, #tpu.memory_space<hbm>>
      %dma_start3A_65 = tpu.memref_squeeze %dma_start3A_64 : memref<1x80x128xi32, #tpu.memory_space<hbm>> -> memref<80x128xi32, #tpu.memory_space<hbm>>
      %dma_start3A_66 = arith.constant 0 : i32
      %dma_start3A_67 = arith.constant 0 : i32
      %dma_start3A_68 = tpu.memref_slice %arg2[%add3A, %dma_start3A_66, %dma_start3A_67] : memref<32x80x128xi32, #tpu.memory_space<hbm>> -> memref<1x80x128xi32, #tpu.memory_space<hbm>>
      %dma_start3A_69 = tpu.memref_squeeze %dma_start3A_68 : memref<1x80x128xi32, #tpu.memory_space<hbm>> -> memref<80x128xi32, #tpu.memory_space<hbm>>
      tpu.enqueue_dma source(%dma_start3A_69 : memref<80x128xi32, #tpu.memory_space<hbm>>) target(%arg4 : memref<80x128xi32, #tpu.memory_space<vmem>>) target_semaphore(%run_scoped3A : memref<!tpu.dma_semaphore, #tpu.memory_space<semaphore_mem>>)
      %dma_wait3A = arith.constant 0 : i32
      %dma_wait3A_70 = arith.constant 0 : i32
      %dma_wait3A_71 = tpu.memref_slice %arg2[%add3A, %dma_wait3A, %dma_wait3A_70] : memref<32x80x128xi32, #tpu.memory_space<hbm>> -> memref<1x80x128xi32, #tpu.memory_space<hbm>>
      %dma_wait3A_72 = tpu.memref_squeeze %dma_wait3A_71 : memref<1x80x128xi32, #tpu.memory_space<hbm>> -> memref<80x128xi32, #tpu.memory_space<hbm>>
      %dma_wait3A_73 = arith.constant 0 : i32
      %dma_wait3A_74 = arith.constant 0 : i32
      %dma_wait3A_75 = tpu.memref_slice %arg2[%add3A, %dma_wait3A_73, %dma_wait3A_74] : memref<32x80x128xi32, #tpu.memory_space<hbm>> -> memref<1x80x128xi32, #tpu.memory_space<hbm>>
      %dma_wait3A_76 = tpu.memref_squeeze %dma_wait3A_75 : memref<1x80x128xi32, #tpu.memory_space<hbm>> -> memref<80x128xi32, #tpu.memory_space<hbm>>
      tpu.wait_dma2 semaphore(%run_scoped3A : memref<!tpu.dma_semaphore, #tpu.memory_space<semaphore_mem>>) src(%dma_wait3A_76 : memref<80x128xi32, #tpu.memory_space<hbm>>) dst(%arg4 : memref<80x128xi32, #tpu.memory_space<vmem>>)
      tpu.yield
    }) : () -> ()
    %scan3A_55 = arith.constant 0 : i32
    %scan3A_56 = arith.constant 0 : i32
    %scan3A_57 = arith.constant 80 : i32
    %scan3A_58 = arith.addi %scan3A_56, %scan3A_57 : i32
    %scan3A_59 = arith.constant 1 : i32
    %scan3A_60 = scf.for %scan3A_63 = %scan3A_56 to %scan3A_58 step %scan3A_59 iter_args(%scan3A_64 = %scan3A_55) -> (i32)  : i32 {
      "tpu.region"() ({
        %run_scoped3A = tpu.sem_alloc : memref<!tpu.dma_semaphore, #tpu.memory_space<semaphore_mem>>
        %dma_start3A = arith.constant 0 : i32
        %dma_start3A_66 = tpu.memref_slice %arg4[%scan3A_63, %dma_start3A] : memref<80x128xi32, #tpu.memory_space<vmem>> -> memref<1x128xi32, #tpu.memory_space<vmem>>
        %dma_start3A_67 = tpu.memref_squeeze %dma_start3A_66 : memref<1x128xi32, #tpu.memory_space<vmem>> -> memref<128xi32, #tpu.memory_space<vmem>>
        %dma_start3A_68 = arith.constant 0 : i32
        %dma_start3A_69 = tpu.memref_slice %arg7[%dma_start3A_68] : memref<10240xf32, #tpu.memory_space<vmem_shared>> -> memref<10240xf32, #tpu.memory_space<vmem_shared>>
        tpu.enqueue_indirect_dma source(%arg5 : memref<128xf32, #tpu.memory_space<vmem>>) target(%dma_start3A_69 : memref<10240xf32, #tpu.memory_space<vmem_shared>>) offsets(%dma_start3A_67 : memref<128xi32, #tpu.memory_space<vmem>>) semaphore(%run_scoped3A : memref<!tpu.dma_semaphore, #tpu.memory_space<semaphore_mem>>) {add = true}
        %dma_wait3A = arith.constant 0 : i32
        %dma_wait3A_70 = tpu.memref_slice %arg4[%scan3A_63, %dma_wait3A] : memref<80x128xi32, #tpu.memory_space<vmem>> -> memref<1x128xi32, #tpu.memory_space<vmem>>
        %dma_wait3A_71 = tpu.memref_squeeze %dma_wait3A_70 : memref<1x128xi32, #tpu.memory_space<vmem>> -> memref<128xi32, #tpu.memory_space<vmem>>
        %dma_wait3A_72 = arith.constant 0 : i32
        %dma_wait3A_73 = tpu.memref_slice %arg7[%dma_wait3A_72] : memref<10240xf32, #tpu.memory_space<vmem_shared>> -> memref<10240xf32, #tpu.memory_space<vmem_shared>>
        tpu.wait_indirect_dma semaphore(%run_scoped3A : memref<!tpu.dma_semaphore, #tpu.memory_space<semaphore_mem>>) src(%arg5 : memref<128xf32, #tpu.memory_space<vmem>>) dst(%dma_wait3A_73 : memref<10240xf32, #tpu.memory_space<vmem_shared>>)
        tpu.yield
      }) : () -> ()
      %scan3A_65 = arith.constant 0 : i32
      scf.yield %scan3A_65 : i32
    }
    %scan3A_61 = arith.constant 80 : i32
    %barrier3A_62 = arith.constant 0 : index
    tpu.barrier barrier_id(%barrier3A_62)
    "tpu.region"() ({
      %run_scoped3A = tpu.sem_alloc : memref<!tpu.dma_semaphore, #tpu.memory_space<semaphore_mem>>
      %dma_start3A = tpu.memref_slice %arg7[%mul3A_54] : memref<10240xf32, #tpu.memory_space<vmem_shared>> -> memref<640xf32, #tpu.memory_space<vmem_shared>>
      %dma_start3A_63 = tpu.memref_slice %arg7[%mul3A_54] : memref<10240xf32, #tpu.memory_space<vmem_shared>> -> memref<640xf32, #tpu.memory_space<vmem_shared>>
      tpu.enqueue_dma source(%dma_start3A_63 : memref<640xf32, #tpu.memory_space<vmem_shared>>) target(%arg6 : memref<640xf32, #tpu.memory_space<vmem>>) target_semaphore(%run_scoped3A : memref<!tpu.dma_semaphore, #tpu.memory_space<semaphore_mem>>)
      %dma_wait3A = tpu.memref_slice %arg7[%mul3A_54] : memref<10240xf32, #tpu.memory_space<vmem_shared>> -> memref<640xf32, #tpu.memory_space<vmem_shared>>
      %dma_wait3A_64 = tpu.memref_slice %arg7[%mul3A_54] : memref<10240xf32, #tpu.memory_space<vmem_shared>> -> memref<640xf32, #tpu.memory_space<vmem_shared>>
      tpu.wait_dma2 semaphore(%run_scoped3A : memref<!tpu.dma_semaphore, #tpu.memory_space<semaphore_mem>>) src(%dma_wait3A_64 : memref<640xf32, #tpu.memory_space<vmem_shared>>) dst(%arg6 : memref<640xf32, #tpu.memory_space<vmem>>)
      tpu.yield
    }) : () -> ()
    "tpu.region"() ({
      %run_scoped3A = tpu.sem_alloc : memref<!tpu.dma_semaphore, #tpu.memory_space<semaphore_mem>>
      %dma_start3A = tpu.memref_slice %arg3[%arg0, %mul3A_54] : memref<2x10240xf32, #tpu.memory_space<hbm>> -> memref<1x640xf32, #tpu.memory_space<hbm>>
      %dma_start3A_63 = tpu.memref_squeeze %dma_start3A : memref<1x640xf32, #tpu.memory_space<hbm>> -> memref<640xf32, #tpu.memory_space<hbm>>
      %dma_start3A_64 = tpu.memref_slice %arg3[%arg0, %mul3A_54] : memref<2x10240xf32, #tpu.memory_space<hbm>> -> memref<1x640xf32, #tpu.memory_space<hbm>>
      %dma_start3A_65 = tpu.memref_squeeze %dma_start3A_64 : memref<1x640xf32, #tpu.memory_space<hbm>> -> memref<640xf32, #tpu.memory_space<hbm>>
      tpu.enqueue_dma source(%arg6 : memref<640xf32, #tpu.memory_space<vmem>>) target(%dma_start3A_65 : memref<640xf32, #tpu.memory_space<hbm>>) target_semaphore(%run_scoped3A : memref<!tpu.dma_semaphore, #tpu.memory_space<semaphore_mem>>)
      %dma_wait3A = tpu.memref_slice %arg3[%arg0, %mul3A_54] : memref<2x10240xf32, #tpu.memory_space<hbm>> -> memref<1x640xf32, #tpu.memory_space<hbm>>
      %dma_wait3A_66 = tpu.memref_squeeze %dma_wait3A : memref<1x640xf32, #tpu.memory_space<hbm>> -> memref<640xf32, #tpu.memory_space<hbm>>
      %dma_wait3A_67 = tpu.memref_slice %arg3[%arg0, %mul3A_54] : memref<2x10240xf32, #tpu.memory_space<hbm>> -> memref<1x640xf32, #tpu.memory_space<hbm>>
      %dma_wait3A_68 = tpu.memref_squeeze %dma_wait3A_67 : memref<1x640xf32, #tpu.memory_space<hbm>> -> memref<640xf32, #tpu.memory_space<hbm>>
      tpu.wait_dma2 semaphore(%run_scoped3A : memref<!tpu.dma_semaphore, #tpu.memory_space<semaphore_mem>>) src(%arg6 : memref<640xf32, #tpu.memory_space<vmem>>) dst(%dma_wait3A_68 : memref<640xf32, #tpu.memory_space<hbm>>)
      tpu.yield
    }) : () -> ()
    return
  }
}

#map = affine_map<(d0, d1) -> (0, 0)>
#map1 = affine_map<(d0, d1) -> (0, 0, 0)>
module attributes {stable_mosaic.version = 14 : i64} {
  func.func @agg_kernel(%arg0: i32, %arg1: i32, %arg2: memref<10240x128xf32, #tpu.memory_space<hbm>>, %arg3: memref<32x80x128xi32, #tpu.memory_space<hbm>>, %arg4: memref<32x80x128xi32, #tpu.memory_space<hbm>>, %arg5: memref<2x10240x128xf32, #tpu.memory_space<hbm>>, %arg6: memref<80x128xi32, #tpu.memory_space<vmem>>, %arg7: memref<80x128xi32, #tpu.memory_space<vmem>>, %arg8: memref<128x128xf32, #tpu.memory_space<vmem>>, %arg9: memref<10240x128xf32, #tpu.memory_space<vmem_shared>>, %arg10: memref<!tpu.dma_semaphore, #tpu.memory_space<semaphore_mem>>) attributes {dimension_semantics = [#tpu.dimension_semantics<core_parallel>, #tpu.dimension_semantics<subcore_parallel>], iteration_bounds = array<i64: 2, 16>, scalar_prefetch = 0 : i64, scratch_operands = 5 : i64, tpu.core_type = #tpu.core_type<sc_vector_subcore>, window_params = [{transform_indices = #map}, {transform_indices = #map1}, {transform_indices = #map1}, {transform_indices = #map1}]} {
    %mul3A = arith.constant 2 : i32
    %mul3A_0 = arith.muli %arg1, %mul3A : i32
    %add3A = arith.addi %mul3A_0, %arg0 : i32
    %scan3A = arith.constant 0 : i32
    %scan3A_1 = arith.constant 0 : i32
    %scan3A_2 = arith.constant 128 : i32
    %scan3A_3 = arith.addi %scan3A_1, %scan3A_2 : i32
    %scan3A_4 = arith.constant 1 : i32
    %scan3A_5 = scf.for %scan3A_47 = %scan3A_1 to %scan3A_3 step %scan3A_4 iter_args(%scan3A_48 = %scan3A) -> (i32)  : i32 {
      %broadcast_in_dim3A = arith.constant 0.000000e+00 : f32
      %broadcast_in_dim3A_49 = vector.broadcast %broadcast_in_dim3A : f32 to vector<16xf32>
      %swap3A = arith.index_cast %scan3A_47 : i32 to index
      %swap3A_50 = arith.constant 0 : index
      %swap3A_51 = tpu.vector_load %arg8[%swap3A, %swap3A_50] {strides = array<i32>} : memref<128x128xf32, #tpu.memory_space<vmem>>, vector<1x16xf32>,
      %swap3A_52 = vector.shape_cast %swap3A_51 : vector<1x16xf32> to vector<16xf32>
      %swap3A_53 = vector.shape_cast %broadcast_in_dim3A_49 : vector<16xf32> to vector<1x16xf32>
      tpu.vector_store %arg8[%swap3A, %swap3A_50], %swap3A_53 {strides = array<i32>} : memref<128x128xf32, #tpu.memory_space<vmem>>, vector<1x16xf32>,
      %broadcast_in_dim3A_54 = arith.constant 0.000000e+00 : f32
      %broadcast_in_dim3A_55 = vector.broadcast %broadcast_in_dim3A_54 : f32 to vector<16xf32>
      %swap3A_56 = arith.index_cast %scan3A_47 : i32 to index
      %swap3A_57 = arith.constant 16 : index
      %swap3A_58 = tpu.vector_load %arg8[%swap3A_56, %swap3A_57] {strides = array<i32>} : memref<128x128xf32, #tpu.memory_space<vmem>>, vector<1x16xf32>,
      %swap3A_59 = vector.shape_cast %swap3A_58 : vector<1x16xf32> to vector<16xf32>
      %swap3A_60 = vector.shape_cast %broadcast_in_dim3A_55 : vector<16xf32> to vector<1x16xf32>
      tpu.vector_store %arg8[%swap3A_56, %swap3A_57], %swap3A_60 {strides = array<i32>} : memref<128x128xf32, #tpu.memory_space<vmem>>, vector<1x16xf32>,
      %broadcast_in_dim3A_61 = arith.constant 0.000000e+00 : f32
      %broadcast_in_dim3A_62 = vector.broadcast %broadcast_in_dim3A_61 : f32 to vector<16xf32>
      %swap3A_63 = arith.index_cast %scan3A_47 : i32 to index
      %swap3A_64 = arith.constant 32 : index
      %swap3A_65 = tpu.vector_load %arg8[%swap3A_63, %swap3A_64] {strides = array<i32>} : memref<128x128xf32, #tpu.memory_space<vmem>>, vector<1x16xf32>,
      %swap3A_66 = vector.shape_cast %swap3A_65 : vector<1x16xf32> to vector<16xf32>
      %swap3A_67 = vector.shape_cast %broadcast_in_dim3A_62 : vector<16xf32> to vector<1x16xf32>
      tpu.vector_store %arg8[%swap3A_63, %swap3A_64], %swap3A_67 {strides = array<i32>} : memref<128x128xf32, #tpu.memory_space<vmem>>, vector<1x16xf32>,
      %broadcast_in_dim3A_68 = arith.constant 0.000000e+00 : f32
      %broadcast_in_dim3A_69 = vector.broadcast %broadcast_in_dim3A_68 : f32 to vector<16xf32>
      %swap3A_70 = arith.index_cast %scan3A_47 : i32 to index
      %swap3A_71 = arith.constant 48 : index
      %swap3A_72 = tpu.vector_load %arg8[%swap3A_70, %swap3A_71] {strides = array<i32>} : memref<128x128xf32, #tpu.memory_space<vmem>>, vector<1x16xf32>,
      %swap3A_73 = vector.shape_cast %swap3A_72 : vector<1x16xf32> to vector<16xf32>
      %swap3A_74 = vector.shape_cast %broadcast_in_dim3A_69 : vector<16xf32> to vector<1x16xf32>
      tpu.vector_store %arg8[%swap3A_70, %swap3A_71], %swap3A_74 {strides = array<i32>} : memref<128x128xf32, #tpu.memory_space<vmem>>, vector<1x16xf32>,
      %broadcast_in_dim3A_75 = arith.constant 0.000000e+00 : f32
      %broadcast_in_dim3A_76 = vector.broadcast %broadcast_in_dim3A_75 : f32 to vector<16xf32>
      %swap3A_77 = arith.index_cast %scan3A_47 : i32 to index
      %swap3A_78 = arith.constant 64 : index
      %swap3A_79 = tpu.vector_load %arg8[%swap3A_77, %swap3A_78] {strides = array<i32>} : memref<128x128xf32, #tpu.memory_space<vmem>>, vector<1x16xf32>,
      %swap3A_80 = vector.shape_cast %swap3A_79 : vector<1x16xf32> to vector<16xf32>
      %swap3A_81 = vector.shape_cast %broadcast_in_dim3A_76 : vector<16xf32> to vector<1x16xf32>
      tpu.vector_store %arg8[%swap3A_77, %swap3A_78], %swap3A_81 {strides = array<i32>} : memref<128x128xf32, #tpu.memory_space<vmem>>, vector<1x16xf32>,
      %broadcast_in_dim3A_82 = arith.constant 0.000000e+00 : f32
      %broadcast_in_dim3A_83 = vector.broadcast %broadcast_in_dim3A_82 : f32 to vector<16xf32>
      %swap3A_84 = arith.index_cast %scan3A_47 : i32 to index
      %swap3A_85 = arith.constant 80 : index
      %swap3A_86 = tpu.vector_load %arg8[%swap3A_84, %swap3A_85] {strides = array<i32>} : memref<128x128xf32, #tpu.memory_space<vmem>>, vector<1x16xf32>,
      %swap3A_87 = vector.shape_cast %swap3A_86 : vector<1x16xf32> to vector<16xf32>
      %swap3A_88 = vector.shape_cast %broadcast_in_dim3A_83 : vector<16xf32> to vector<1x16xf32>
      tpu.vector_store %arg8[%swap3A_84, %swap3A_85], %swap3A_88 {strides = array<i32>} : memref<128x128xf32, #tpu.memory_space<vmem>>, vector<1x16xf32>,
      %broadcast_in_dim3A_89 = arith.constant 0.000000e+00 : f32
      %broadcast_in_dim3A_90 = vector.broadcast %broadcast_in_dim3A_89 : f32 to vector<16xf32>
      %swap3A_91 = arith.index_cast %scan3A_47 : i32 to index
      %swap3A_92 = arith.constant 96 : index
      %swap3A_93 = tpu.vector_load %arg8[%swap3A_91, %swap3A_92] {strides = array<i32>} : memref<128x128xf32, #tpu.memory_space<vmem>>, vector<1x16xf32>,
      %swap3A_94 = vector.shape_cast %swap3A_93 : vector<1x16xf32> to vector<16xf32>
      %swap3A_95 = vector.shape_cast %broadcast_in_dim3A_90 : vector<16xf32> to vector<1x16xf32>
      tpu.vector_store %arg8[%swap3A_91, %swap3A_92], %swap3A_95 {strides = array<i32>} : memref<128x128xf32, #tpu.memory_space<vmem>>, vector<1x16xf32>,
      %broadcast_in_dim3A_96 = arith.constant 0.000000e+00 : f32
      %broadcast_in_dim3A_97 = vector.broadcast %broadcast_in_dim3A_96 : f32 to vector<16xf32>
      %swap3A_98 = arith.index_cast %scan3A_47 : i32 to index
      %swap3A_99 = arith.constant 112 : index
      %swap3A_100 = tpu.vector_load %arg8[%swap3A_98, %swap3A_99] {strides = array<i32>} : memref<128x128xf32, #tpu.memory_space<vmem>>, vector<1x16xf32>,
      %swap3A_101 = vector.shape_cast %swap3A_100 : vector<1x16xf32> to vector<16xf32>
      %swap3A_102 = vector.shape_cast %broadcast_in_dim3A_97 : vector<16xf32> to vector<1x16xf32>
      tpu.vector_store %arg8[%swap3A_98, %swap3A_99], %swap3A_102 {strides = array<i32>} : memref<128x128xf32, #tpu.memory_space<vmem>>, vector<1x16xf32>,
      %scan3A_103 = arith.constant 0 : i32
      scf.yield %scan3A_103 : i32
    }
    %scan3A_6 = arith.constant 128 : i32
    %mul3A_7 = arith.constant 640 : i32
    %mul3A_8 = arith.muli %arg1, %mul3A_7 : i32
    %add3A_9 = arith.constant 0 : i32
    %add3A_10 = arith.addi %mul3A_8, %add3A_9 : i32
    "tpu.region"() ({
      %run_scoped3A = tpu.sem_alloc : memref<!tpu.dma_semaphore, #tpu.memory_space<semaphore_mem>>
      %dma_start3A = arith.constant 0 : i32
      %dma_start3A_47 = tpu.memref_slice %arg9[%add3A_10, %dma_start3A] : memref<10240x128xf32, #tpu.memory_space<vmem_shared>> -> memref<128x128xf32, #tpu.memory_space<vmem_shared>>
      %dma_start3A_48 = arith.constant 0 : i32
      %dma_start3A_49 = tpu.memref_slice %arg9[%add3A_10, %dma_start3A_48] : memref<10240x128xf32, #tpu.memory_space<vmem_shared>> -> memref<128x128xf32, #tpu.memory_space<vmem_shared>>
      tpu.enqueue_dma source(%arg8 : memref<128x128xf32, #tpu.memory_space<vmem>>) target(%dma_start3A_49 : memref<128x128xf32, #tpu.memory_space<vmem_shared>>) target_semaphore(%run_scoped3A : memref<!tpu.dma_semaphore, #tpu.memory_space<semaphore_mem>>)
      %dma_wait3A = arith.constant 0 : i32
      %dma_wait3A_50 = tpu.memref_slice %arg9[%add3A_10, %dma_wait3A] : memref<10240x128xf32, #tpu.memory_space<vmem_shared>> -> memref<128x128xf32, #tpu.memory_space<vmem_shared>>
      %dma_wait3A_51 = arith.constant 0 : i32
      %dma_wait3A_52 = tpu.memref_slice %arg9[%add3A_10, %dma_wait3A_51] : memref<10240x128xf32, #tpu.memory_space<vmem_shared>> -> memref<128x128xf32, #tpu.memory_space<vmem_shared>>
      tpu.wait_dma2 semaphore(%run_scoped3A : memref<!tpu.dma_semaphore, #tpu.memory_space<semaphore_mem>>) src(%arg8 : memref<128x128xf32, #tpu.memory_space<vmem>>) dst(%dma_wait3A_52 : memref<128x128xf32, #tpu.memory_space<vmem_shared>>)
      tpu.yield
    }) : () -> ()
    %add3A_11 = arith.constant 128 : i32
    %add3A_12 = arith.addi %mul3A_8, %add3A_11 : i32
    "tpu.region"() ({
      %run_scoped3A = tpu.sem_alloc : memref<!tpu.dma_semaphore, #tpu.memory_space<semaphore_mem>>
      %dma_start3A = arith.constant 0 : i32
      %dma_start3A_47 = tpu.memref_slice %arg9[%add3A_12, %dma_start3A] : memref<10240x128xf32, #tpu.memory_space<vmem_shared>> -> memref<128x128xf32, #tpu.memory_space<vmem_shared>>
      %dma_start3A_48 = arith.constant 0 : i32
      %dma_start3A_49 = tpu.memref_slice %arg9[%add3A_12, %dma_start3A_48] : memref<10240x128xf32, #tpu.memory_space<vmem_shared>> -> memref<128x128xf32, #tpu.memory_space<vmem_shared>>
      tpu.enqueue_dma source(%arg8 : memref<128x128xf32, #tpu.memory_space<vmem>>) target(%dma_start3A_49 : memref<128x128xf32, #tpu.memory_space<vmem_shared>>) target_semaphore(%run_scoped3A : memref<!tpu.dma_semaphore, #tpu.memory_space<semaphore_mem>>)
      %dma_wait3A = arith.constant 0 : i32
      %dma_wait3A_50 = tpu.memref_slice %arg9[%add3A_12, %dma_wait3A] : memref<10240x128xf32, #tpu.memory_space<vmem_shared>> -> memref<128x128xf32, #tpu.memory_space<vmem_shared>>
      %dma_wait3A_51 = arith.constant 0 : i32
      %dma_wait3A_52 = tpu.memref_slice %arg9[%add3A_12, %dma_wait3A_51] : memref<10240x128xf32, #tpu.memory_space<vmem_shared>> -> memref<128x128xf32, #tpu.memory_space<vmem_shared>>
      tpu.wait_dma2 semaphore(%run_scoped3A : memref<!tpu.dma_semaphore, #tpu.memory_space<semaphore_mem>>) src(%arg8 : memref<128x128xf32, #tpu.memory_space<vmem>>) dst(%dma_wait3A_52 : memref<128x128xf32, #tpu.memory_space<vmem_shared>>)
      tpu.yield
    }) : () -> ()
    %add3A_13 = arith.constant 256 : i32
    %add3A_14 = arith.addi %mul3A_8, %add3A_13 : i32
    "tpu.region"() ({
      %run_scoped3A = tpu.sem_alloc : memref<!tpu.dma_semaphore, #tpu.memory_space<semaphore_mem>>
      %dma_start3A = arith.constant 0 : i32
      %dma_start3A_47 = tpu.memref_slice %arg9[%add3A_14, %dma_start3A] : memref<10240x128xf32, #tpu.memory_space<vmem_shared>> -> memref<128x128xf32, #tpu.memory_space<vmem_shared>>
      %dma_start3A_48 = arith.constant 0 : i32
      %dma_start3A_49 = tpu.memref_slice %arg9[%add3A_14, %dma_start3A_48] : memref<10240x128xf32, #tpu.memory_space<vmem_shared>> -> memref<128x128xf32, #tpu.memory_space<vmem_shared>>
      tpu.enqueue_dma source(%arg8 : memref<128x128xf32, #tpu.memory_space<vmem>>) target(%dma_start3A_49 : memref<128x128xf32, #tpu.memory_space<vmem_shared>>) target_semaphore(%run_scoped3A : memref<!tpu.dma_semaphore, #tpu.memory_space<semaphore_mem>>)
      %dma_wait3A = arith.constant 0 : i32
      %dma_wait3A_50 = tpu.memref_slice %arg9[%add3A_14, %dma_wait3A] : memref<10240x128xf32, #tpu.memory_space<vmem_shared>> -> memref<128x128xf32, #tpu.memory_space<vmem_shared>>
      %dma_wait3A_51 = arith.constant 0 : i32
      %dma_wait3A_52 = tpu.memref_slice %arg9[%add3A_14, %dma_wait3A_51] : memref<10240x128xf32, #tpu.memory_space<vmem_shared>> -> memref<128x128xf32, #tpu.memory_space<vmem_shared>>
      tpu.wait_dma2 semaphore(%run_scoped3A : memref<!tpu.dma_semaphore, #tpu.memory_space<semaphore_mem>>) src(%arg8 : memref<128x128xf32, #tpu.memory_space<vmem>>) dst(%dma_wait3A_52 : memref<128x128xf32, #tpu.memory_space<vmem_shared>>)
      tpu.yield
    }) : () -> ()
    %add3A_15 = arith.constant 384 : i32
    %add3A_16 = arith.addi %mul3A_8, %add3A_15 : i32
    "tpu.region"() ({
      %run_scoped3A = tpu.sem_alloc : memref<!tpu.dma_semaphore, #tpu.memory_space<semaphore_mem>>
      %dma_start3A = arith.constant 0 : i32
      %dma_start3A_47 = tpu.memref_slice %arg9[%add3A_16, %dma_start3A] : memref<10240x128xf32, #tpu.memory_space<vmem_shared>> -> memref<128x128xf32, #tpu.memory_space<vmem_shared>>
      %dma_start3A_48 = arith.constant 0 : i32
      %dma_start3A_49 = tpu.memref_slice %arg9[%add3A_16, %dma_start3A_48] : memref<10240x128xf32, #tpu.memory_space<vmem_shared>> -> memref<128x128xf32, #tpu.memory_space<vmem_shared>>
      tpu.enqueue_dma source(%arg8 : memref<128x128xf32, #tpu.memory_space<vmem>>) target(%dma_start3A_49 : memref<128x128xf32, #tpu.memory_space<vmem_shared>>) target_semaphore(%run_scoped3A : memref<!tpu.dma_semaphore, #tpu.memory_space<semaphore_mem>>)
      %dma_wait3A = arith.constant 0 : i32
      %dma_wait3A_50 = tpu.memref_slice %arg9[%add3A_16, %dma_wait3A] : memref<10240x128xf32, #tpu.memory_space<vmem_shared>> -> memref<128x128xf32, #tpu.memory_space<vmem_shared>>
      %dma_wait3A_51 = arith.constant 0 : i32
      %dma_wait3A_52 = tpu.memref_slice %arg9[%add3A_16, %dma_wait3A_51] : memref<10240x128xf32, #tpu.memory_space<vmem_shared>> -> memref<128x128xf32, #tpu.memory_space<vmem_shared>>
      tpu.wait_dma2 semaphore(%run_scoped3A : memref<!tpu.dma_semaphore, #tpu.memory_space<semaphore_mem>>) src(%arg8 : memref<128x128xf32, #tpu.memory_space<vmem>>) dst(%dma_wait3A_52 : memref<128x128xf32, #tpu.memory_space<vmem_shared>>)
      tpu.yield
    }) : () -> ()
    %add3A_17 = arith.constant 512 : i32
    %add3A_18 = arith.addi %mul3A_8, %add3A_17 : i32
    "tpu.region"() ({
      %run_scoped3A = tpu.sem_alloc : memref<!tpu.dma_semaphore, #tpu.memory_space<semaphore_mem>>
      %dma_start3A = arith.constant 0 : i32
      %dma_start3A_47 = tpu.memref_slice %arg9[%add3A_18, %dma_start3A] : memref<10240x128xf32, #tpu.memory_space<vmem_shared>> -> memref<128x128xf32, #tpu.memory_space<vmem_shared>>
      %dma_start3A_48 = arith.constant 0 : i32
      %dma_start3A_49 = tpu.memref_slice %arg9[%add3A_18, %dma_start3A_48] : memref<10240x128xf32, #tpu.memory_space<vmem_shared>> -> memref<128x128xf32, #tpu.memory_space<vmem_shared>>
      tpu.enqueue_dma source(%arg8 : memref<128x128xf32, #tpu.memory_space<vmem>>) target(%dma_start3A_49 : memref<128x128xf32, #tpu.memory_space<vmem_shared>>) target_semaphore(%run_scoped3A : memref<!tpu.dma_semaphore, #tpu.memory_space<semaphore_mem>>)
      %dma_wait3A = arith.constant 0 : i32
      %dma_wait3A_50 = tpu.memref_slice %arg9[%add3A_18, %dma_wait3A] : memref<10240x128xf32, #tpu.memory_space<vmem_shared>> -> memref<128x128xf32, #tpu.memory_space<vmem_shared>>
      %dma_wait3A_51 = arith.constant 0 : i32
      %dma_wait3A_52 = tpu.memref_slice %arg9[%add3A_18, %dma_wait3A_51] : memref<10240x128xf32, #tpu.memory_space<vmem_shared>> -> memref<128x128xf32, #tpu.memory_space<vmem_shared>>
      tpu.wait_dma2 semaphore(%run_scoped3A : memref<!tpu.dma_semaphore, #tpu.memory_space<semaphore_mem>>) src(%arg8 : memref<128x128xf32, #tpu.memory_space<vmem>>) dst(%dma_wait3A_52 : memref<128x128xf32, #tpu.memory_space<vmem_shared>>)
      tpu.yield
    }) : () -> ()
    %barrier3A = arith.constant 0 : index
    tpu.barrier barrier_id(%barrier3A)
    "tpu.region"() ({
      %run_scoped3A = tpu.sem_alloc : memref<!tpu.dma_semaphore, #tpu.memory_space<semaphore_mem>>
      %dma_start3A = arith.constant 0 : i32
      %dma_start3A_47 = arith.constant 0 : i32
      %dma_start3A_48 = tpu.memref_slice %arg3[%add3A, %dma_start3A, %dma_start3A_47] : memref<32x80x128xi32, #tpu.memory_space<hbm>> -> memref<1x80x128xi32, #tpu.memory_space<hbm>>
      %dma_start3A_49 = tpu.memref_squeeze %dma_start3A_48 : memref<1x80x128xi32, #tpu.memory_space<hbm>> -> memref<80x128xi32, #tpu.memory_space<hbm>>
      %dma_start3A_50 = arith.constant 0 : i32
      %dma_start3A_51 = arith.constant 0 : i32
      %dma_start3A_52 = tpu.memref_slice %arg3[%add3A, %dma_start3A_50, %dma_start3A_51] : memref<32x80x128xi32, #tpu.memory_space<hbm>> -> memref<1x80x128xi32, #tpu.memory_space<hbm>>
      %dma_start3A_53 = tpu.memref_squeeze %dma_start3A_52 : memref<1x80x128xi32, #tpu.memory_space<hbm>> -> memref<80x128xi32, #tpu.memory_space<hbm>>
      tpu.enqueue_dma source(%dma_start3A_53 : memref<80x128xi32, #tpu.memory_space<hbm>>) target(%arg6 : memref<80x128xi32, #tpu.memory_space<vmem>>) target_semaphore(%run_scoped3A : memref<!tpu.dma_semaphore, #tpu.memory_space<semaphore_mem>>)
      %dma_wait3A = arith.constant 0 : i32
      %dma_wait3A_54 = arith.constant 0 : i32
      %dma_wait3A_55 = tpu.memref_slice %arg3[%add3A, %dma_wait3A, %dma_wait3A_54] : memref<32x80x128xi32, #tpu.memory_space<hbm>> -> memref<1x80x128xi32, #tpu.memory_space<hbm>>
      %dma_wait3A_56 = tpu.memref_squeeze %dma_wait3A_55 : memref<1x80x128xi32, #tpu.memory_space<hbm>> -> memref<80x128xi32, #tpu.memory_space<hbm>>
      %dma_wait3A_57 = arith.constant 0 : i32
      %dma_wait3A_58 = arith.constant 0 : i32
      %dma_wait3A_59 = tpu.memref_slice %arg3[%add3A, %dma_wait3A_57, %dma_wait3A_58] : memref<32x80x128xi32, #tpu.memory_space<hbm>> -> memref<1x80x128xi32, #tpu.memory_space<hbm>>
      %dma_wait3A_60 = tpu.memref_squeeze %dma_wait3A_59 : memref<1x80x128xi32, #tpu.memory_space<hbm>> -> memref<80x128xi32, #tpu.memory_space<hbm>>
      tpu.wait_dma2 semaphore(%run_scoped3A : memref<!tpu.dma_semaphore, #tpu.memory_space<semaphore_mem>>) src(%dma_wait3A_60 : memref<80x128xi32, #tpu.memory_space<hbm>>) dst(%arg6 : memref<80x128xi32, #tpu.memory_space<vmem>>)
      tpu.yield
    }) : () -> ()
    "tpu.region"() ({
      %run_scoped3A = tpu.sem_alloc : memref<!tpu.dma_semaphore, #tpu.memory_space<semaphore_mem>>
      %dma_start3A = arith.constant 0 : i32
      %dma_start3A_47 = arith.constant 0 : i32
      %dma_start3A_48 = tpu.memref_slice %arg4[%add3A, %dma_start3A, %dma_start3A_47] : memref<32x80x128xi32, #tpu.memory_space<hbm>> -> memref<1x80x128xi32, #tpu.memory_space<hbm>>
      %dma_start3A_49 = tpu.memref_squeeze %dma_start3A_48 : memref<1x80x128xi32, #tpu.memory_space<hbm>> -> memref<80x128xi32, #tpu.memory_space<hbm>>
      %dma_start3A_50 = arith.constant 0 : i32
      %dma_start3A_51 = arith.constant 0 : i32
      %dma_start3A_52 = tpu.memref_slice %arg4[%add3A, %dma_start3A_50, %dma_start3A_51] : memref<32x80x128xi32, #tpu.memory_space<hbm>> -> memref<1x80x128xi32, #tpu.memory_space<hbm>>
      %dma_start3A_53 = tpu.memref_squeeze %dma_start3A_52 : memref<1x80x128xi32, #tpu.memory_space<hbm>> -> memref<80x128xi32, #tpu.memory_space<hbm>>
      tpu.enqueue_dma source(%dma_start3A_53 : memref<80x128xi32, #tpu.memory_space<hbm>>) target(%arg7 : memref<80x128xi32, #tpu.memory_space<vmem>>) target_semaphore(%run_scoped3A : memref<!tpu.dma_semaphore, #tpu.memory_space<semaphore_mem>>)
      %dma_wait3A = arith.constant 0 : i32
      %dma_wait3A_54 = arith.constant 0 : i32
      %dma_wait3A_55 = tpu.memref_slice %arg4[%add3A, %dma_wait3A, %dma_wait3A_54] : memref<32x80x128xi32, #tpu.memory_space<hbm>> -> memref<1x80x128xi32, #tpu.memory_space<hbm>>
      %dma_wait3A_56 = tpu.memref_squeeze %dma_wait3A_55 : memref<1x80x128xi32, #tpu.memory_space<hbm>> -> memref<80x128xi32, #tpu.memory_space<hbm>>
      %dma_wait3A_57 = arith.constant 0 : i32
      %dma_wait3A_58 = arith.constant 0 : i32
      %dma_wait3A_59 = tpu.memref_slice %arg4[%add3A, %dma_wait3A_57, %dma_wait3A_58] : memref<32x80x128xi32, #tpu.memory_space<hbm>> -> memref<1x80x128xi32, #tpu.memory_space<hbm>>
      %dma_wait3A_60 = tpu.memref_squeeze %dma_wait3A_59 : memref<1x80x128xi32, #tpu.memory_space<hbm>> -> memref<80x128xi32, #tpu.memory_space<hbm>>
      tpu.wait_dma2 semaphore(%run_scoped3A : memref<!tpu.dma_semaphore, #tpu.memory_space<semaphore_mem>>) src(%dma_wait3A_60 : memref<80x128xi32, #tpu.memory_space<hbm>>) dst(%arg7 : memref<80x128xi32, #tpu.memory_space<vmem>>)
      tpu.yield
    }) : () -> ()
    %scan3A_19 = arith.constant 0 : i32
    %scan3A_20 = arith.constant 0 : i32
    %scan3A_21 = arith.constant 80 : i32
    %scan3A_22 = arith.addi %scan3A_20, %scan3A_21 : i32
    %scan3A_23 = arith.constant 1 : i32
    %scan3A_24 = scf.for %scan3A_47 = %scan3A_20 to %scan3A_22 step %scan3A_23 iter_args(%scan3A_48 = %scan3A_19) -> (i32)  : i32 {
      %dma_start3A = arith.constant 0 : i32
      %dma_start3A_49 = tpu.memref_slice %arg6[%scan3A_47, %dma_start3A] : memref<80x128xi32, #tpu.memory_space<vmem>> -> memref<1x128xi32, #tpu.memory_space<vmem>>
      %dma_start3A_50 = tpu.memref_squeeze %dma_start3A_49 : memref<1x128xi32, #tpu.memory_space<vmem>> -> memref<128xi32, #tpu.memory_space<vmem>>
      %dma_start3A_51 = arith.constant 0 : i32
      %dma_start3A_52 = arith.constant 0 : i32
      %dma_start3A_53 = tpu.memref_slice %arg2[%dma_start3A_51, %dma_start3A_52] : memref<10240x128xf32, #tpu.memory_space<hbm>> -> memref<10240x128xf32, #tpu.memory_space<hbm>>
      tpu.enqueue_indirect_dma source(%dma_start3A_53 : memref<10240x128xf32, #tpu.memory_space<hbm>>) target(%arg8 : memref<128x128xf32, #tpu.memory_space<vmem>>) offsets(%dma_start3A_50 : memref<128xi32, #tpu.memory_space<vmem>>) semaphore(%arg10 : memref<!tpu.dma_semaphore, #tpu.memory_space<semaphore_mem>>)
      %dma_wait3A = arith.constant 0 : i32
      %dma_wait3A_54 = tpu.memref_slice %arg6[%scan3A_47, %dma_wait3A] : memref<80x128xi32, #tpu.memory_space<vmem>> -> memref<1x128xi32, #tpu.memory_space<vmem>>
      %dma_wait3A_55 = tpu.memref_squeeze %dma_wait3A_54 : memref<1x128xi32, #tpu.memory_space<vmem>> -> memref<128xi32, #tpu.memory_space<vmem>>
      %dma_wait3A_56 = arith.constant 0 : i32
      %dma_wait3A_57 = arith.constant 0 : i32
      %dma_wait3A_58 = tpu.memref_slice %arg2[%dma_wait3A_56, %dma_wait3A_57] : memref<10240x128xf32, #tpu.memory_space<hbm>> -> memref<10240x128xf32, #tpu.memory_space<hbm>>
      tpu.wait_indirect_dma semaphore(%arg10 : memref<!tpu.dma_semaphore, #tpu.memory_space<semaphore_mem>>) src(%dma_wait3A_58 : memref<10240x128xf32, #tpu.memory_space<hbm>>) dst(%arg8 : memref<128x128xf32, #tpu.memory_space<vmem>>)
      "tpu.region"() ({
        %run_scoped3A = tpu.sem_alloc : memref<!tpu.dma_semaphore, #tpu.memory_space<semaphore_mem>>
        %dma_start3A_60 = arith.constant 0 : i32
        %dma_start3A_61 = tpu.memref_slice %arg7[%scan3A_47, %dma_start3A_60] : memref<80x128xi32, #tpu.memory_space<vmem>> -> memref<1x128xi32, #tpu.memory_space<vmem>>
        %dma_start3A_62 = tpu.memref_squeeze %dma_start3A_61 : memref<1x128xi32, #tpu.memory_space<vmem>> -> memref<128xi32, #tpu.memory_space<vmem>>
        %dma_start3A_63 = arith.constant 0 : i32
        %dma_start3A_64 = arith.constant 0 : i32
        %dma_start3A_65 = tpu.memref_slice %arg9[%dma_start3A_63, %dma_start3A_64] : memref<10240x128xf32, #tpu.memory_space<vmem_shared>> -> memref<10240x128xf32, #tpu.memory_space<vmem_shared>>
        tpu.enqueue_indirect_dma source(%arg8 : memref<128x128xf32, #tpu.memory_space<vmem>>) target(%dma_start3A_65 : memref<10240x128xf32, #tpu.memory_space<vmem_shared>>) offsets(%dma_start3A_62 : memref<128xi32, #tpu.memory_space<vmem>>) semaphore(%run_scoped3A : memref<!tpu.dma_semaphore, #tpu.memory_space<semaphore_mem>>) {add = true}
        %dma_wait3A_66 = arith.constant 0 : i32
        %dma_wait3A_67 = tpu.memref_slice %arg7[%scan3A_47, %dma_wait3A_66] : memref<80x128xi32, #tpu.memory_space<vmem>> -> memref<1x128xi32, #tpu.memory_space<vmem>>
        %dma_wait3A_68 = tpu.memref_squeeze %dma_wait3A_67 : memref<1x128xi32, #tpu.memory_space<vmem>> -> memref<128xi32, #tpu.memory_space<vmem>>
        %dma_wait3A_69 = arith.constant 0 : i32
        %dma_wait3A_70 = arith.constant 0 : i32
        %dma_wait3A_71 = tpu.memref_slice %arg9[%dma_wait3A_69, %dma_wait3A_70] : memref<10240x128xf32, #tpu.memory_space<vmem_shared>> -> memref<10240x128xf32, #tpu.memory_space<vmem_shared>>
        tpu.wait_indirect_dma semaphore(%run_scoped3A : memref<!tpu.dma_semaphore, #tpu.memory_space<semaphore_mem>>) src(%arg8 : memref<128x128xf32, #tpu.memory_space<vmem>>) dst(%dma_wait3A_71 : memref<10240x128xf32, #tpu.memory_space<vmem_shared>>)
        tpu.yield
      }) : () -> ()
      %scan3A_59 = arith.constant 0 : i32
      scf.yield %scan3A_59 : i32
    }
    %scan3A_25 = arith.constant 80 : i32
    %barrier3A_26 = arith.constant 0 : index
    tpu.barrier barrier_id(%barrier3A_26)
    %add3A_27 = arith.constant 0 : i32
    %add3A_28 = arith.addi %mul3A_8, %add3A_27 : i32
    "tpu.region"() ({
      %run_scoped3A = tpu.sem_alloc : memref<!tpu.dma_semaphore, #tpu.memory_space<semaphore_mem>>
      %dma_start3A = arith.constant 0 : i32
      %dma_start3A_47 = tpu.memref_slice %arg9[%add3A_28, %dma_start3A] : memref<10240x128xf32, #tpu.memory_space<vmem_shared>> -> memref<128x128xf32, #tpu.memory_space<vmem_shared>>
      %dma_start3A_48 = arith.constant 0 : i32
      %dma_start3A_49 = tpu.memref_slice %arg9[%add3A_28, %dma_start3A_48] : memref<10240x128xf32, #tpu.memory_space<vmem_shared>> -> memref<128x128xf32, #tpu.memory_space<vmem_shared>>
      tpu.enqueue_dma source(%dma_start3A_49 : memref<128x128xf32, #tpu.memory_space<vmem_shared>>) target(%arg8 : memref<128x128xf32, #tpu.memory_space<vmem>>) target_semaphore(%run_scoped3A : memref<!tpu.dma_semaphore, #tpu.memory_space<semaphore_mem>>)
      %dma_wait3A = arith.constant 0 : i32
      %dma_wait3A_50 = tpu.memref_slice %arg9[%add3A_28, %dma_wait3A] : memref<10240x128xf32, #tpu.memory_space<vmem_shared>> -> memref<128x128xf32, #tpu.memory_space<vmem_shared>>
      %dma_wait3A_51 = arith.constant 0 : i32
      %dma_wait3A_52 = tpu.memref_slice %arg9[%add3A_28, %dma_wait3A_51] : memref<10240x128xf32, #tpu.memory_space<vmem_shared>> -> memref<128x128xf32, #tpu.memory_space<vmem_shared>>
      tpu.wait_dma2 semaphore(%run_scoped3A : memref<!tpu.dma_semaphore, #tpu.memory_space<semaphore_mem>>) src(%dma_wait3A_52 : memref<128x128xf32, #tpu.memory_space<vmem_shared>>) dst(%arg8 : memref<128x128xf32, #tpu.memory_space<vmem>>)
      tpu.yield
    }) : () -> ()
    %add3A_29 = arith.constant 0 : i32
    %add3A_30 = arith.addi %mul3A_8, %add3A_29 : i32
    "tpu.region"() ({
      %run_scoped3A = tpu.sem_alloc : memref<!tpu.dma_semaphore, #tpu.memory_space<semaphore_mem>>
      %dma_start3A = arith.constant 0 : i32
      %dma_start3A_47 = tpu.memref_slice %arg5[%arg0, %add3A_30, %dma_start3A] : memref<2x10240x128xf32, #tpu.memory_space<hbm>> -> memref<1x128x128xf32, #tpu.memory_space<hbm>>
      %dma_start3A_48 = tpu.memref_squeeze %dma_start3A_47 : memref<1x128x128xf32, #tpu.memory_space<hbm>> -> memref<128x128xf32, #tpu.memory_space<hbm>>
      %dma_start3A_49 = arith.constant 0 : i32
      %dma_start3A_50 = tpu.memref_slice %arg5[%arg0, %add3A_30, %dma_start3A_49] : memref<2x10240x128xf32, #tpu.memory_space<hbm>> -> memref<1x128x128xf32, #tpu.memory_space<hbm>>
      %dma_start3A_51 = tpu.memref_squeeze %dma_start3A_50 : memref<1x128x128xf32, #tpu.memory_space<hbm>> -> memref<128x128xf32, #tpu.memory_space<hbm>>
      tpu.enqueue_dma source(%arg8 : memref<128x128xf32, #tpu.memory_space<vmem>>) target(%dma_start3A_51 : memref<128x128xf32, #tpu.memory_space<hbm>>) target_semaphore(%run_scoped3A : memref<!tpu.dma_semaphore, #tpu.memory_space<semaphore_mem>>)
      %dma_wait3A = arith.constant 0 : i32
      %dma_wait3A_52 = tpu.memref_slice %arg5[%arg0, %add3A_30, %dma_wait3A] : memref<2x10240x128xf32, #tpu.memory_space<hbm>> -> memref<1x128x128xf32, #tpu.memory_space<hbm>>
      %dma_wait3A_53 = tpu.memref_squeeze %dma_wait3A_52 : memref<1x128x128xf32, #tpu.memory_space<hbm>> -> memref<128x128xf32, #tpu.memory_space<hbm>>
      %dma_wait3A_54 = arith.constant 0 : i32
      %dma_wait3A_55 = tpu.memref_slice %arg5[%arg0, %add3A_30, %dma_wait3A_54] : memref<2x10240x128xf32, #tpu.memory_space<hbm>> -> memref<1x128x128xf32, #tpu.memory_space<hbm>>
      %dma_wait3A_56 = tpu.memref_squeeze %dma_wait3A_55 : memref<1x128x128xf32, #tpu.memory_space<hbm>> -> memref<128x128xf32, #tpu.memory_space<hbm>>
      tpu.wait_dma2 semaphore(%run_scoped3A : memref<!tpu.dma_semaphore, #tpu.memory_space<semaphore_mem>>) src(%arg8 : memref<128x128xf32, #tpu.memory_space<vmem>>) dst(%dma_wait3A_56 : memref<128x128xf32, #tpu.memory_space<hbm>>)
      tpu.yield
    }) : () -> ()
    %add3A_31 = arith.constant 128 : i32
    %add3A_32 = arith.addi %mul3A_8, %add3A_31 : i32
    "tpu.region"() ({
      %run_scoped3A = tpu.sem_alloc : memref<!tpu.dma_semaphore, #tpu.memory_space<semaphore_mem>>
      %dma_start3A = arith.constant 0 : i32
      %dma_start3A_47 = tpu.memref_slice %arg9[%add3A_32, %dma_start3A] : memref<10240x128xf32, #tpu.memory_space<vmem_shared>> -> memref<128x128xf32, #tpu.memory_space<vmem_shared>>
      %dma_start3A_48 = arith.constant 0 : i32
      %dma_start3A_49 = tpu.memref_slice %arg9[%add3A_32, %dma_start3A_48] : memref<10240x128xf32, #tpu.memory_space<vmem_shared>> -> memref<128x128xf32, #tpu.memory_space<vmem_shared>>
      tpu.enqueue_dma source(%dma_start3A_49 : memref<128x128xf32, #tpu.memory_space<vmem_shared>>) target(%arg8 : memref<128x128xf32, #tpu.memory_space<vmem>>) target_semaphore(%run_scoped3A : memref<!tpu.dma_semaphore, #tpu.memory_space<semaphore_mem>>)
      %dma_wait3A = arith.constant 0 : i32
      %dma_wait3A_50 = tpu.memref_slice %arg9[%add3A_32, %dma_wait3A] : memref<10240x128xf32, #tpu.memory_space<vmem_shared>> -> memref<128x128xf32, #tpu.memory_space<vmem_shared>>
      %dma_wait3A_51 = arith.constant 0 : i32
      %dma_wait3A_52 = tpu.memref_slice %arg9[%add3A_32, %dma_wait3A_51] : memref<10240x128xf32, #tpu.memory_space<vmem_shared>> -> memref<128x128xf32, #tpu.memory_space<vmem_shared>>
      tpu.wait_dma2 semaphore(%run_scoped3A : memref<!tpu.dma_semaphore, #tpu.memory_space<semaphore_mem>>) src(%dma_wait3A_52 : memref<128x128xf32, #tpu.memory_space<vmem_shared>>) dst(%arg8 : memref<128x128xf32, #tpu.memory_space<vmem>>)
      tpu.yield
    }) : () -> ()
    %add3A_33 = arith.constant 128 : i32
    %add3A_34 = arith.addi %mul3A_8, %add3A_33 : i32
    "tpu.region"() ({
      %run_scoped3A = tpu.sem_alloc : memref<!tpu.dma_semaphore, #tpu.memory_space<semaphore_mem>>
      %dma_start3A = arith.constant 0 : i32
      %dma_start3A_47 = tpu.memref_slice %arg5[%arg0, %add3A_34, %dma_start3A] : memref<2x10240x128xf32, #tpu.memory_space<hbm>> -> memref<1x128x128xf32, #tpu.memory_space<hbm>>
      %dma_start3A_48 = tpu.memref_squeeze %dma_start3A_47 : memref<1x128x128xf32, #tpu.memory_space<hbm>> -> memref<128x128xf32, #tpu.memory_space<hbm>>
      %dma_start3A_49 = arith.constant 0 : i32
      %dma_start3A_50 = tpu.memref_slice %arg5[%arg0, %add3A_34, %dma_start3A_49] : memref<2x10240x128xf32, #tpu.memory_space<hbm>> -> memref<1x128x128xf32, #tpu.memory_space<hbm>>
      %dma_start3A_51 = tpu.memref_squeeze %dma_start3A_50 : memref<1x128x128xf32, #tpu.memory_space<hbm>> -> memref<128x128xf32, #tpu.memory_space<hbm>>
      tpu.enqueue_dma source(%arg8 : memref<128x128xf32, #tpu.memory_space<vmem>>) target(%dma_start3A_51 : memref<128x128xf32, #tpu.memory_space<hbm>>) target_semaphore(%run_scoped3A : memref<!tpu.dma_semaphore, #tpu.memory_space<semaphore_mem>>)
      %dma_wait3A = arith.constant 0 : i32
      %dma_wait3A_52 = tpu.memref_slice %arg5[%arg0, %add3A_34, %dma_wait3A] : memref<2x10240x128xf32, #tpu.memory_space<hbm>> -> memref<1x128x128xf32, #tpu.memory_space<hbm>>
      %dma_wait3A_53 = tpu.memref_squeeze %dma_wait3A_52 : memref<1x128x128xf32, #tpu.memory_space<hbm>> -> memref<128x128xf32, #tpu.memory_space<hbm>>
      %dma_wait3A_54 = arith.constant 0 : i32
      %dma_wait3A_55 = tpu.memref_slice %arg5[%arg0, %add3A_34, %dma_wait3A_54] : memref<2x10240x128xf32, #tpu.memory_space<hbm>> -> memref<1x128x128xf32, #tpu.memory_space<hbm>>
      %dma_wait3A_56 = tpu.memref_squeeze %dma_wait3A_55 : memref<1x128x128xf32, #tpu.memory_space<hbm>> -> memref<128x128xf32, #tpu.memory_space<hbm>>
      tpu.wait_dma2 semaphore(%run_scoped3A : memref<!tpu.dma_semaphore, #tpu.memory_space<semaphore_mem>>) src(%arg8 : memref<128x128xf32, #tpu.memory_space<vmem>>) dst(%dma_wait3A_56 : memref<128x128xf32, #tpu.memory_space<hbm>>)
      tpu.yield
    }) : () -> ()
    %add3A_35 = arith.constant 256 : i32
    %add3A_36 = arith.addi %mul3A_8, %add3A_35 : i32
    "tpu.region"() ({
      %run_scoped3A = tpu.sem_alloc : memref<!tpu.dma_semaphore, #tpu.memory_space<semaphore_mem>>
      %dma_start3A = arith.constant 0 : i32
      %dma_start3A_47 = tpu.memref_slice %arg9[%add3A_36, %dma_start3A] : memref<10240x128xf32, #tpu.memory_space<vmem_shared>> -> memref<128x128xf32, #tpu.memory_space<vmem_shared>>
      %dma_start3A_48 = arith.constant 0 : i32
      %dma_start3A_49 = tpu.memref_slice %arg9[%add3A_36, %dma_start3A_48] : memref<10240x128xf32, #tpu.memory_space<vmem_shared>> -> memref<128x128xf32, #tpu.memory_space<vmem_shared>>
      tpu.enqueue_dma source(%dma_start3A_49 : memref<128x128xf32, #tpu.memory_space<vmem_shared>>) target(%arg8 : memref<128x128xf32, #tpu.memory_space<vmem>>) target_semaphore(%run_scoped3A : memref<!tpu.dma_semaphore, #tpu.memory_space<semaphore_mem>>)
      %dma_wait3A = arith.constant 0 : i32
      %dma_wait3A_50 = tpu.memref_slice %arg9[%add3A_36, %dma_wait3A] : memref<10240x128xf32, #tpu.memory_space<vmem_shared>> -> memref<128x128xf32, #tpu.memory_space<vmem_shared>>
      %dma_wait3A_51 = arith.constant 0 : i32
      %dma_wait3A_52 = tpu.memref_slice %arg9[%add3A_36, %dma_wait3A_51] : memref<10240x128xf32, #tpu.memory_space<vmem_shared>> -> memref<128x128xf32, #tpu.memory_space<vmem_shared>>
      tpu.wait_dma2 semaphore(%run_scoped3A : memref<!tpu.dma_semaphore, #tpu.memory_space<semaphore_mem>>) src(%dma_wait3A_52 : memref<128x128xf32, #tpu.memory_space<vmem_shared>>) dst(%arg8 : memref<128x128xf32, #tpu.memory_space<vmem>>)
      tpu.yield
    }) : () -> ()
    %add3A_37 = arith.constant 256 : i32
    %add3A_38 = arith.addi %mul3A_8, %add3A_37 : i32
    "tpu.region"() ({
      %run_scoped3A = tpu.sem_alloc : memref<!tpu.dma_semaphore, #tpu.memory_space<semaphore_mem>>
      %dma_start3A = arith.constant 0 : i32
      %dma_start3A_47 = tpu.memref_slice %arg5[%arg0, %add3A_38, %dma_start3A] : memref<2x10240x128xf32, #tpu.memory_space<hbm>> -> memref<1x128x128xf32, #tpu.memory_space<hbm>>
      %dma_start3A_48 = tpu.memref_squeeze %dma_start3A_47 : memref<1x128x128xf32, #tpu.memory_space<hbm>> -> memref<128x128xf32, #tpu.memory_space<hbm>>
      %dma_start3A_49 = arith.constant 0 : i32
      %dma_start3A_50 = tpu.memref_slice %arg5[%arg0, %add3A_38, %dma_start3A_49] : memref<2x10240x128xf32, #tpu.memory_space<hbm>> -> memref<1x128x128xf32, #tpu.memory_space<hbm>>
      %dma_start3A_51 = tpu.memref_squeeze %dma_start3A_50 : memref<1x128x128xf32, #tpu.memory_space<hbm>> -> memref<128x128xf32, #tpu.memory_space<hbm>>
      tpu.enqueue_dma source(%arg8 : memref<128x128xf32, #tpu.memory_space<vmem>>) target(%dma_start3A_51 : memref<128x128xf32, #tpu.memory_space<hbm>>) target_semaphore(%run_scoped3A : memref<!tpu.dma_semaphore, #tpu.memory_space<semaphore_mem>>)
      %dma_wait3A = arith.constant 0 : i32
      %dma_wait3A_52 = tpu.memref_slice %arg5[%arg0, %add3A_38, %dma_wait3A] : memref<2x10240x128xf32, #tpu.memory_space<hbm>> -> memref<1x128x128xf32, #tpu.memory_space<hbm>>
      %dma_wait3A_53 = tpu.memref_squeeze %dma_wait3A_52 : memref<1x128x128xf32, #tpu.memory_space<hbm>> -> memref<128x128xf32, #tpu.memory_space<hbm>>
      %dma_wait3A_54 = arith.constant 0 : i32
      %dma_wait3A_55 = tpu.memref_slice %arg5[%arg0, %add3A_38, %dma_wait3A_54] : memref<2x10240x128xf32, #tpu.memory_space<hbm>> -> memref<1x128x128xf32, #tpu.memory_space<hbm>>
      %dma_wait3A_56 = tpu.memref_squeeze %dma_wait3A_55 : memref<1x128x128xf32, #tpu.memory_space<hbm>> -> memref<128x128xf32, #tpu.memory_space<hbm>>
      tpu.wait_dma2 semaphore(%run_scoped3A : memref<!tpu.dma_semaphore, #tpu.memory_space<semaphore_mem>>) src(%arg8 : memref<128x128xf32, #tpu.memory_space<vmem>>) dst(%dma_wait3A_56 : memref<128x128xf32, #tpu.memory_space<hbm>>)
      tpu.yield
    }) : () -> ()
    %add3A_39 = arith.constant 384 : i32
    %add3A_40 = arith.addi %mul3A_8, %add3A_39 : i32
    "tpu.region"() ({
      %run_scoped3A = tpu.sem_alloc : memref<!tpu.dma_semaphore, #tpu.memory_space<semaphore_mem>>
      %dma_start3A = arith.constant 0 : i32
      %dma_start3A_47 = tpu.memref_slice %arg9[%add3A_40, %dma_start3A] : memref<10240x128xf32, #tpu.memory_space<vmem_shared>> -> memref<128x128xf32, #tpu.memory_space<vmem_shared>>
      %dma_start3A_48 = arith.constant 0 : i32
      %dma_start3A_49 = tpu.memref_slice %arg9[%add3A_40, %dma_start3A_48] : memref<10240x128xf32, #tpu.memory_space<vmem_shared>> -> memref<128x128xf32, #tpu.memory_space<vmem_shared>>
      tpu.enqueue_dma source(%dma_start3A_49 : memref<128x128xf32, #tpu.memory_space<vmem_shared>>) target(%arg8 : memref<128x128xf32, #tpu.memory_space<vmem>>) target_semaphore(%run_scoped3A : memref<!tpu.dma_semaphore, #tpu.memory_space<semaphore_mem>>)
      %dma_wait3A = arith.constant 0 : i32
      %dma_wait3A_50 = tpu.memref_slice %arg9[%add3A_40, %dma_wait3A] : memref<10240x128xf32, #tpu.memory_space<vmem_shared>> -> memref<128x128xf32, #tpu.memory_space<vmem_shared>>
      %dma_wait3A_51 = arith.constant 0 : i32
      %dma_wait3A_52 = tpu.memref_slice %arg9[%add3A_40, %dma_wait3A_51] : memref<10240x128xf32, #tpu.memory_space<vmem_shared>> -> memref<128x128xf32, #tpu.memory_space<vmem_shared>>
      tpu.wait_dma2 semaphore(%run_scoped3A : memref<!tpu.dma_semaphore, #tpu.memory_space<semaphore_mem>>) src(%dma_wait3A_52 : memref<128x128xf32, #tpu.memory_space<vmem_shared>>) dst(%arg8 : memref<128x128xf32, #tpu.memory_space<vmem>>)
      tpu.yield
    }) : () -> ()
    %add3A_41 = arith.constant 384 : i32
    %add3A_42 = arith.addi %mul3A_8, %add3A_41 : i32
    "tpu.region"() ({
      %run_scoped3A = tpu.sem_alloc : memref<!tpu.dma_semaphore, #tpu.memory_space<semaphore_mem>>
      %dma_start3A = arith.constant 0 : i32
      %dma_start3A_47 = tpu.memref_slice %arg5[%arg0, %add3A_42, %dma_start3A] : memref<2x10240x128xf32, #tpu.memory_space<hbm>> -> memref<1x128x128xf32, #tpu.memory_space<hbm>>
      %dma_start3A_48 = tpu.memref_squeeze %dma_start3A_47 : memref<1x128x128xf32, #tpu.memory_space<hbm>> -> memref<128x128xf32, #tpu.memory_space<hbm>>
      %dma_start3A_49 = arith.constant 0 : i32
      %dma_start3A_50 = tpu.memref_slice %arg5[%arg0, %add3A_42, %dma_start3A_49] : memref<2x10240x128xf32, #tpu.memory_space<hbm>> -> memref<1x128x128xf32, #tpu.memory_space<hbm>>
      %dma_start3A_51 = tpu.memref_squeeze %dma_start3A_50 : memref<1x128x128xf32, #tpu.memory_space<hbm>> -> memref<128x128xf32, #tpu.memory_space<hbm>>
      tpu.enqueue_dma source(%arg8 : memref<128x128xf32, #tpu.memory_space<vmem>>) target(%dma_start3A_51 : memref<128x128xf32, #tpu.memory_space<hbm>>) target_semaphore(%run_scoped3A : memref<!tpu.dma_semaphore, #tpu.memory_space<semaphore_mem>>)
      %dma_wait3A = arith.constant 0 : i32
      %dma_wait3A_52 = tpu.memref_slice %arg5[%arg0, %add3A_42, %dma_wait3A] : memref<2x10240x128xf32, #tpu.memory_space<hbm>> -> memref<1x128x128xf32, #tpu.memory_space<hbm>>
      %dma_wait3A_53 = tpu.memref_squeeze %dma_wait3A_52 : memref<1x128x128xf32, #tpu.memory_space<hbm>> -> memref<128x128xf32, #tpu.memory_space<hbm>>
      %dma_wait3A_54 = arith.constant 0 : i32
      %dma_wait3A_55 = tpu.memref_slice %arg5[%arg0, %add3A_42, %dma_wait3A_54] : memref<2x10240x128xf32, #tpu.memory_space<hbm>> -> memref<1x128x128xf32, #tpu.memory_space<hbm>>
      %dma_wait3A_56 = tpu.memref_squeeze %dma_wait3A_55 : memref<1x128x128xf32, #tpu.memory_space<hbm>> -> memref<128x128xf32, #tpu.memory_space<hbm>>
      tpu.wait_dma2 semaphore(%run_scoped3A : memref<!tpu.dma_semaphore, #tpu.memory_space<semaphore_mem>>) src(%arg8 : memref<128x128xf32, #tpu.memory_space<vmem>>) dst(%dma_wait3A_56 : memref<128x128xf32, #tpu.memory_space<hbm>>)
      tpu.yield
    }) : () -> ()
    %add3A_43 = arith.constant 512 : i32
    %add3A_44 = arith.addi %mul3A_8, %add3A_43 : i32
    "tpu.region"() ({
      %run_scoped3A = tpu.sem_alloc : memref<!tpu.dma_semaphore, #tpu.memory_space<semaphore_mem>>
      %dma_start3A = arith.constant 0 : i32
      %dma_start3A_47 = tpu.memref_slice %arg9[%add3A_44, %dma_start3A] : memref<10240x128xf32, #tpu.memory_space<vmem_shared>> -> memref<128x128xf32, #tpu.memory_space<vmem_shared>>
      %dma_start3A_48 = arith.constant 0 : i32
      %dma_start3A_49 = tpu.memref_slice %arg9[%add3A_44, %dma_start3A_48] : memref<10240x128xf32, #tpu.memory_space<vmem_shared>> -> memref<128x128xf32, #tpu.memory_space<vmem_shared>>
      tpu.enqueue_dma source(%dma_start3A_49 : memref<128x128xf32, #tpu.memory_space<vmem_shared>>) target(%arg8 : memref<128x128xf32, #tpu.memory_space<vmem>>) target_semaphore(%run_scoped3A : memref<!tpu.dma_semaphore, #tpu.memory_space<semaphore_mem>>)
      %dma_wait3A = arith.constant 0 : i32
      %dma_wait3A_50 = tpu.memref_slice %arg9[%add3A_44, %dma_wait3A] : memref<10240x128xf32, #tpu.memory_space<vmem_shared>> -> memref<128x128xf32, #tpu.memory_space<vmem_shared>>
      %dma_wait3A_51 = arith.constant 0 : i32
      %dma_wait3A_52 = tpu.memref_slice %arg9[%add3A_44, %dma_wait3A_51] : memref<10240x128xf32, #tpu.memory_space<vmem_shared>> -> memref<128x128xf32, #tpu.memory_space<vmem_shared>>
      tpu.wait_dma2 semaphore(%run_scoped3A : memref<!tpu.dma_semaphore, #tpu.memory_space<semaphore_mem>>) src(%dma_wait3A_52 : memref<128x128xf32, #tpu.memory_space<vmem_shared>>) dst(%arg8 : memref<128x128xf32, #tpu.memory_space<vmem>>)
      tpu.yield
    }) : () -> ()
    %add3A_45 = arith.constant 512 : i32
    %add3A_46 = arith.addi %mul3A_8, %add3A_45 : i32
    "tpu.region"() ({
      %run_scoped3A = tpu.sem_alloc : memref<!tpu.dma_semaphore, #tpu.memory_space<semaphore_mem>>
      %dma_start3A = arith.constant 0 : i32
      %dma_start3A_47 = tpu.memref_slice %arg5[%arg0, %add3A_46, %dma_start3A] : memref<2x10240x128xf32, #tpu.memory_space<hbm>> -> memref<1x128x128xf32, #tpu.memory_space<hbm>>
      %dma_start3A_48 = tpu.memref_squeeze %dma_start3A_47 : memref<1x128x128xf32, #tpu.memory_space<hbm>> -> memref<128x128xf32, #tpu.memory_space<hbm>>
      %dma_start3A_49 = arith.constant 0 : i32
      %dma_start3A_50 = tpu.memref_slice %arg5[%arg0, %add3A_46, %dma_start3A_49] : memref<2x10240x128xf32, #tpu.memory_space<hbm>> -> memref<1x128x128xf32, #tpu.memory_space<hbm>>
      %dma_start3A_51 = tpu.memref_squeeze %dma_start3A_50 : memref<1x128x128xf32, #tpu.memory_space<hbm>> -> memref<128x128xf32, #tpu.memory_space<hbm>>
      tpu.enqueue_dma source(%arg8 : memref<128x128xf32, #tpu.memory_space<vmem>>) target(%dma_start3A_51 : memref<128x128xf32, #tpu.memory_space<hbm>>) target_semaphore(%run_scoped3A : memref<!tpu.dma_semaphore, #tpu.memory_space<semaphore_mem>>)
      %dma_wait3A = arith.constant 0 : i32
      %dma_wait3A_52 = tpu.memref_slice %arg5[%arg0, %add3A_46, %dma_wait3A] : memref<2x10240x128xf32, #tpu.memory_space<hbm>> -> memref<1x128x128xf32, #tpu.memory_space<hbm>>
      %dma_wait3A_53 = tpu.memref_squeeze %dma_wait3A_52 : memref<1x128x128xf32, #tpu.memory_space<hbm>> -> memref<128x128xf32, #tpu.memory_space<hbm>>
      %dma_wait3A_54 = arith.constant 0 : i32
      %dma_wait3A_55 = tpu.memref_slice %arg5[%arg0, %add3A_46, %dma_wait3A_54] : memref<2x10240x128xf32, #tpu.memory_space<hbm>> -> memref<1x128x128xf32, #tpu.memory_space<hbm>>
      %dma_wait3A_56 = tpu.memref_squeeze %dma_wait3A_55 : memref<1x128x128xf32, #tpu.memory_space<hbm>> -> memref<128x128xf32, #tpu.memory_space<hbm>>
      tpu.wait_dma2 semaphore(%run_scoped3A : memref<!tpu.dma_semaphore, #tpu.memory_space<semaphore_mem>>) src(%arg8 : memref<128x128xf32, #tpu.memory_space<vmem>>) dst(%dma_wait3A_56 : memref<128x128xf32, #tpu.memory_space<hbm>>)
      tpu.yield
    }) : () -> ()
    return
  }
}

module attributes {stable_mosaic.version = 14 : i64} {
  func.func @_dense_body(%arg0: memref<10240x128xf32, #tpu.memory_space<vmem>>, %arg1: memref<10240x128xf32, #tpu.memory_space<vmem>>, %arg2: memref<1x128xf32, #tpu.memory_space<vmem>>, %arg3: memref<1x128xf32, #tpu.memory_space<vmem>>, %arg4: memref<128x128xf32, #tpu.memory_space<vmem>>, %arg5: memref<384x128xf32, #tpu.memory_space<vmem>>, %arg6: memref<384x128xf32, #tpu.memory_space<vmem>>, %arg7: memref<1x384xf32, #tpu.memory_space<vmem>>, %arg8: memref<1x384xf32, #tpu.memory_space<vmem>>, %arg9: memref<2x10240x1xf32, #tpu.memory_space<vmem>>, %arg10: memref<10240x128xf32, #tpu.memory_space<vmem>>, %arg11: memref<10240x1xf32, #tpu.memory_space<vmem>>, %arg12: memref<128x128xf32, #tpu.memory_space<vmem>>, %arg13: memref<80x128xf32, #tpu.memory_space<vmem>>) attributes {dimension_semantics = [], scalar_prefetch = 0 : i64, scratch_operands = 2 : i64, tpu.core_type = #tpu.core_type<tc>} {
    %get3A = arith.constant 0 : index
    %get3A_0 = arith.constant 0 : index
    %get3A_1 = vector.load %arg3[%get3A, %get3A_0] : memref<1x128xf32, #tpu.memory_space<vmem>>, vector<1x128xf32>
    %get3A_2 = arith.constant 0 : index
    %get3A_3 = arith.constant 0 : index
    %get3A_4 = vector.load %arg1[%get3A_2, %get3A_3] : memref<10240x128xf32, #tpu.memory_space<vmem>>, vector<10240x128xf32>
    %dot_general3A = arith.constant dense<0.000000e+00> : vector<1x10240xf32>
    %dot_general3A_5 = tpu.matmul %get3A_1, %get3A_4, %dot_general3A {dimension_numbers = #tpu.dot_dimension_numbers<[1], [1], [0], [0], [0, 0, 1, 0], [], []>, transpose_lhs_hint = false} : vector<1x128xf32>, vector<10240x128xf32>, vector<1x10240xf32> -> vector<1x10240xf32>
    %slice3A = vector.extract_strided_slice %dot_general3A_5 {offsets = [0, 0], sizes = [1, 128], strides = [1, 1]} : vector<1x10240xf32> to vector<1x128xf32>
    %swap3A = arith.constant 0 : index
    %swap3A_6 = arith.constant 0 : index
    %swap3A_7 = vector.load %arg13[%swap3A, %swap3A_6] : memref<80x128xf32, #tpu.memory_space<vmem>>, vector<1x128xf32>
    tpu.vector_store %arg13[%swap3A, %swap3A_6], %slice3A {strides = array<i32>} : memref<80x128xf32, #tpu.memory_space<vmem>>, vector<1x128xf32>,
    %slice3A_8 = vector.extract_strided_slice %dot_general3A_5 {offsets = [0, 128], sizes = [1, 128], strides = [1, 1]} : vector<1x10240xf32> to vector<1x128xf32>
    %swap3A_9 = arith.constant 1 : index
    %swap3A_10 = arith.constant 0 : index
    %swap3A_11 = vector.load %arg13[%swap3A_9, %swap3A_10] : memref<80x128xf32, #tpu.memory_space<vmem>>, vector<1x128xf32>
    tpu.vector_store %arg13[%swap3A_9, %swap3A_10], %slice3A_8 {strides = array<i32>} : memref<80x128xf32, #tpu.memory_space<vmem>>, vector<1x128xf32>,
    %slice3A_12 = vector.extract_strided_slice %dot_general3A_5 {offsets = [0, 256], sizes = [1, 128], strides = [1, 1]} : vector<1x10240xf32> to vector<1x128xf32>
    %swap3A_13 = arith.constant 2 : index
    %swap3A_14 = arith.constant 0 : index
    %swap3A_15 = vector.load %arg13[%swap3A_13, %swap3A_14] : memref<80x128xf32, #tpu.memory_space<vmem>>, vector<1x128xf32>
    tpu.vector_store %arg13[%swap3A_13, %swap3A_14], %slice3A_12 {strides = array<i32>} : memref<80x128xf32, #tpu.memory_space<vmem>>, vector<1x128xf32>,
    %slice3A_16 = vector.extract_strided_slice %dot_general3A_5 {offsets = [0, 384], sizes = [1, 128], strides = [1, 1]} : vector<1x10240xf32> to vector<1x128xf32>
    %swap3A_17 = arith.constant 3 : index
    %swap3A_18 = arith.constant 0 : index
    %swap3A_19 = vector.load %arg13[%swap3A_17, %swap3A_18] : memref<80x128xf32, #tpu.memory_space<vmem>>, vector<1x128xf32>
    tpu.vector_store %arg13[%swap3A_17, %swap3A_18], %slice3A_16 {strides = array<i32>} : memref<80x128xf32, #tpu.memory_space<vmem>>, vector<1x128xf32>,
    %slice3A_20 = vector.extract_strided_slice %dot_general3A_5 {offsets = [0, 512], sizes = [1, 128], strides = [1, 1]} : vector<1x10240xf32> to vector<1x128xf32>
    %swap3A_21 = arith.constant 4 : index
    %swap3A_22 = arith.constant 0 : index
    %swap3A_23 = vector.load %arg13[%swap3A_21, %swap3A_22] : memref<80x128xf32, #tpu.memory_space<vmem>>, vector<1x128xf32>
    tpu.vector_store %arg13[%swap3A_21, %swap3A_22], %slice3A_20 {strides = array<i32>} : memref<80x128xf32, #tpu.memory_space<vmem>>, vector<1x128xf32>,
    %slice3A_24 = vector.extract_strided_slice %dot_general3A_5 {offsets = [0, 640], sizes = [1, 128], strides = [1, 1]} : vector<1x10240xf32> to vector<1x128xf32>
    %swap3A_25 = arith.constant 5 : index
    %swap3A_26 = arith.constant 0 : index
    %swap3A_27 = vector.load %arg13[%swap3A_25, %swap3A_26] : memref<80x128xf32, #tpu.memory_space<vmem>>, vector<1x128xf32>
    tpu.vector_store %arg13[%swap3A_25, %swap3A_26], %slice3A_24 {strides = array<i32>} : memref<80x128xf32, #tpu.memory_space<vmem>>, vector<1x128xf32>,
    %slice3A_28 = vector.extract_strided_slice %dot_general3A_5 {offsets = [0, 768], sizes = [1, 128], strides = [1, 1]} : vector<1x10240xf32> to vector<1x128xf32>
    %swap3A_29 = arith.constant 6 : index
    %swap3A_30 = arith.constant 0 : index
    %swap3A_31 = vector.load %arg13[%swap3A_29, %swap3A_30] : memref<80x128xf32, #tpu.memory_space<vmem>>, vector<1x128xf32>
    tpu.vector_store %arg13[%swap3A_29, %swap3A_30], %slice3A_28 {strides = array<i32>} : memref<80x128xf32, #tpu.memory_space<vmem>>, vector<1x128xf32>,
    %slice3A_32 = vector.extract_strided_slice %dot_general3A_5 {offsets = [0, 896], sizes = [1, 128], strides = [1, 1]} : vector<1x10240xf32> to vector<1x128xf32>
    %swap3A_33 = arith.constant 7 : index
    %swap3A_34 = arith.constant 0 : index
    %swap3A_35 = vector.load %arg13[%swap3A_33, %swap3A_34] : memref<80x128xf32, #tpu.memory_space<vmem>>, vector<1x128xf32>
    tpu.vector_store %arg13[%swap3A_33, %swap3A_34], %slice3A_32 {strides = array<i32>} : memref<80x128xf32, #tpu.memory_space<vmem>>, vector<1x128xf32>,
    %slice3A_36 = vector.extract_strided_slice %dot_general3A_5 {offsets = [0, 1024], sizes = [1, 128], strides = [1, 1]} : vector<1x10240xf32> to vector<1x128xf32>
    %swap3A_37 = arith.constant 8 : index
    %swap3A_38 = arith.constant 0 : index
    %swap3A_39 = vector.load %arg13[%swap3A_37, %swap3A_38] : memref<80x128xf32, #tpu.memory_space<vmem>>, vector<1x128xf32>
    tpu.vector_store %arg13[%swap3A_37, %swap3A_38], %slice3A_36 {strides = array<i32>} : memref<80x128xf32, #tpu.memory_space<vmem>>, vector<1x128xf32>,
    %slice3A_40 = vector.extract_strided_slice %dot_general3A_5 {offsets = [0, 1152], sizes = [1, 128], strides = [1, 1]} : vector<1x10240xf32> to vector<1x128xf32>
    %swap3A_41 = arith.constant 9 : index
    %swap3A_42 = arith.constant 0 : index
    %swap3A_43 = vector.load %arg13[%swap3A_41, %swap3A_42] : memref<80x128xf32, #tpu.memory_space<vmem>>, vector<1x128xf32>
    tpu.vector_store %arg13[%swap3A_41, %swap3A_42], %slice3A_40 {strides = array<i32>} : memref<80x128xf32, #tpu.memory_space<vmem>>, vector<1x128xf32>,
    %slice3A_44 = vector.extract_strided_slice %dot_general3A_5 {offsets = [0, 1280], sizes = [1, 128], strides = [1, 1]} : vector<1x10240xf32> to vector<1x128xf32>
    %swap3A_45 = arith.constant 10 : index
    %swap3A_46 = arith.constant 0 : index
    %swap3A_47 = vector.load %arg13[%swap3A_45, %swap3A_46] : memref<80x128xf32, #tpu.memory_space<vmem>>, vector<1x128xf32>
    tpu.vector_store %arg13[%swap3A_45, %swap3A_46], %slice3A_44 {strides = array<i32>} : memref<80x128xf32, #tpu.memory_space<vmem>>, vector<1x128xf32>,
    %slice3A_48 = vector.extract_strided_slice %dot_general3A_5 {offsets = [0, 1408], sizes = [1, 128], strides = [1, 1]} : vector<1x10240xf32> to vector<1x128xf32>
    %swap3A_49 = arith.constant 11 : index
    %swap3A_50 = arith.constant 0 : index
    %swap3A_51 = vector.load %arg13[%swap3A_49, %swap3A_50] : memref<80x128xf32, #tpu.memory_space<vmem>>, vector<1x128xf32>
    tpu.vector_store %arg13[%swap3A_49, %swap3A_50], %slice3A_48 {strides = array<i32>} : memref<80x128xf32, #tpu.memory_space<vmem>>, vector<1x128xf32>,
    %slice3A_52 = vector.extract_strided_slice %dot_general3A_5 {offsets = [0, 1536], sizes = [1, 128], strides = [1, 1]} : vector<1x10240xf32> to vector<1x128xf32>
    %swap3A_53 = arith.constant 12 : index
    %swap3A_54 = arith.constant 0 : index
    %swap3A_55 = vector.load %arg13[%swap3A_53, %swap3A_54] : memref<80x128xf32, #tpu.memory_space<vmem>>, vector<1x128xf32>
    tpu.vector_store %arg13[%swap3A_53, %swap3A_54], %slice3A_52 {strides = array<i32>} : memref<80x128xf32, #tpu.memory_space<vmem>>, vector<1x128xf32>,
    %slice3A_56 = vector.extract_strided_slice %dot_general3A_5 {offsets = [0, 1664], sizes = [1, 128], strides = [1, 1]} : vector<1x10240xf32> to vector<1x128xf32>
    %swap3A_57 = arith.constant 13 : index
    %swap3A_58 = arith.constant 0 : index
    %swap3A_59 = vector.load %arg13[%swap3A_57, %swap3A_58] : memref<80x128xf32, #tpu.memory_space<vmem>>, vector<1x128xf32>
    tpu.vector_store %arg13[%swap3A_57, %swap3A_58], %slice3A_56 {strides = array<i32>} : memref<80x128xf32, #tpu.memory_space<vmem>>, vector<1x128xf32>,
    %slice3A_60 = vector.extract_strided_slice %dot_general3A_5 {offsets = [0, 1792], sizes = [1, 128], strides = [1, 1]} : vector<1x10240xf32> to vector<1x128xf32>
    %swap3A_61 = arith.constant 14 : index
    %swap3A_62 = arith.constant 0 : index
    %swap3A_63 = vector.load %arg13[%swap3A_61, %swap3A_62] : memref<80x128xf32, #tpu.memory_space<vmem>>, vector<1x128xf32>
    tpu.vector_store %arg13[%swap3A_61, %swap3A_62], %slice3A_60 {strides = array<i32>} : memref<80x128xf32, #tpu.memory_space<vmem>>, vector<1x128xf32>,
    %slice3A_64 = vector.extract_strided_slice %dot_general3A_5 {offsets = [0, 1920], sizes = [1, 128], strides = [1, 1]} : vector<1x10240xf32> to vector<1x128xf32>
    %swap3A_65 = arith.constant 15 : index
    %swap3A_66 = arith.constant 0 : index
    %swap3A_67 = vector.load %arg13[%swap3A_65, %swap3A_66] : memref<80x128xf32, #tpu.memory_space<vmem>>, vector<1x128xf32>
    tpu.vector_store %arg13[%swap3A_65, %swap3A_66], %slice3A_64 {strides = array<i32>} : memref<80x128xf32, #tpu.memory_space<vmem>>, vector<1x128xf32>,
    %slice3A_68 = vector.extract_strided_slice %dot_general3A_5 {offsets = [0, 2048], sizes = [1, 128], strides = [1, 1]} : vector<1x10240xf32> to vector<1x128xf32>
    %swap3A_69 = arith.constant 16 : index
    %swap3A_70 = arith.constant 0 : index
    %swap3A_71 = vector.load %arg13[%swap3A_69, %swap3A_70] : memref<80x128xf32, #tpu.memory_space<vmem>>, vector<1x128xf32>
    tpu.vector_store %arg13[%swap3A_69, %swap3A_70], %slice3A_68 {strides = array<i32>} : memref<80x128xf32, #tpu.memory_space<vmem>>, vector<1x128xf32>,
    %slice3A_72 = vector.extract_strided_slice %dot_general3A_5 {offsets = [0, 2176], sizes = [1, 128], strides = [1, 1]} : vector<1x10240xf32> to vector<1x128xf32>
    %swap3A_73 = arith.constant 17 : index
    %swap3A_74 = arith.constant 0 : index
    %swap3A_75 = vector.load %arg13[%swap3A_73, %swap3A_74] : memref<80x128xf32, #tpu.memory_space<vmem>>, vector<1x128xf32>
    tpu.vector_store %arg13[%swap3A_73, %swap3A_74], %slice3A_72 {strides = array<i32>} : memref<80x128xf32, #tpu.memory_space<vmem>>, vector<1x128xf32>,
    %slice3A_76 = vector.extract_strided_slice %dot_general3A_5 {offsets = [0, 2304], sizes = [1, 128], strides = [1, 1]} : vector<1x10240xf32> to vector<1x128xf32>
    %swap3A_77 = arith.constant 18 : index
    %swap3A_78 = arith.constant 0 : index
    %swap3A_79 = vector.load %arg13[%swap3A_77, %swap3A_78] : memref<80x128xf32, #tpu.memory_space<vmem>>, vector<1x128xf32>
    tpu.vector_store %arg13[%swap3A_77, %swap3A_78], %slice3A_76 {strides = array<i32>} : memref<80x128xf32, #tpu.memory_space<vmem>>, vector<1x128xf32>,
    %slice3A_80 = vector.extract_strided_slice %dot_general3A_5 {offsets = [0, 2432], sizes = [1, 128], strides = [1, 1]} : vector<1x10240xf32> to vector<1x128xf32>
    %swap3A_81 = arith.constant 19 : index
    %swap3A_82 = arith.constant 0 : index
    %swap3A_83 = vector.load %arg13[%swap3A_81, %swap3A_82] : memref<80x128xf32, #tpu.memory_space<vmem>>, vector<1x128xf32>
    tpu.vector_store %arg13[%swap3A_81, %swap3A_82], %slice3A_80 {strides = array<i32>} : memref<80x128xf32, #tpu.memory_space<vmem>>, vector<1x128xf32>,
    %slice3A_84 = vector.extract_strided_slice %dot_general3A_5 {offsets = [0, 2560], sizes = [1, 128], strides = [1, 1]} : vector<1x10240xf32> to vector<1x128xf32>
    %swap3A_85 = arith.constant 20 : index
    %swap3A_86 = arith.constant 0 : index
    %swap3A_87 = vector.load %arg13[%swap3A_85, %swap3A_86] : memref<80x128xf32, #tpu.memory_space<vmem>>, vector<1x128xf32>
    tpu.vector_store %arg13[%swap3A_85, %swap3A_86], %slice3A_84 {strides = array<i32>} : memref<80x128xf32, #tpu.memory_space<vmem>>, vector<1x128xf32>,
    %slice3A_88 = vector.extract_strided_slice %dot_general3A_5 {offsets = [0, 2688], sizes = [1, 128], strides = [1, 1]} : vector<1x10240xf32> to vector<1x128xf32>
    %swap3A_89 = arith.constant 21 : index
    %swap3A_90 = arith.constant 0 : index
    %swap3A_91 = vector.load %arg13[%swap3A_89, %swap3A_90] : memref<80x128xf32, #tpu.memory_space<vmem>>, vector<1x128xf32>
    tpu.vector_store %arg13[%swap3A_89, %swap3A_90], %slice3A_88 {strides = array<i32>} : memref<80x128xf32, #tpu.memory_space<vmem>>, vector<1x128xf32>,
    %slice3A_92 = vector.extract_strided_slice %dot_general3A_5 {offsets = [0, 2816], sizes = [1, 128], strides = [1, 1]} : vector<1x10240xf32> to vector<1x128xf32>
    %swap3A_93 = arith.constant 22 : index
    %swap3A_94 = arith.constant 0 : index
    %swap3A_95 = vector.load %arg13[%swap3A_93, %swap3A_94] : memref<80x128xf32, #tpu.memory_space<vmem>>, vector<1x128xf32>
    tpu.vector_store %arg13[%swap3A_93, %swap3A_94], %slice3A_92 {strides = array<i32>} : memref<80x128xf32, #tpu.memory_space<vmem>>, vector<1x128xf32>,
    %slice3A_96 = vector.extract_strided_slice %dot_general3A_5 {offsets = [0, 2944], sizes = [1, 128], strides = [1, 1]} : vector<1x10240xf32> to vector<1x128xf32>
    %swap3A_97 = arith.constant 23 : index
    %swap3A_98 = arith.constant 0 : index
    %swap3A_99 = vector.load %arg13[%swap3A_97, %swap3A_98] : memref<80x128xf32, #tpu.memory_space<vmem>>, vector<1x128xf32>
    tpu.vector_store %arg13[%swap3A_97, %swap3A_98], %slice3A_96 {strides = array<i32>} : memref<80x128xf32, #tpu.memory_space<vmem>>, vector<1x128xf32>,
    %slice3A_100 = vector.extract_strided_slice %dot_general3A_5 {offsets = [0, 3072], sizes = [1, 128], strides = [1, 1]} : vector<1x10240xf32> to vector<1x128xf32>
    %swap3A_101 = arith.constant 24 : index
    %swap3A_102 = arith.constant 0 : index
    %swap3A_103 = vector.load %arg13[%swap3A_101, %swap3A_102] : memref<80x128xf32, #tpu.memory_space<vmem>>, vector<1x128xf32>
    tpu.vector_store %arg13[%swap3A_101, %swap3A_102], %slice3A_100 {strides = array<i32>} : memref<80x128xf32, #tpu.memory_space<vmem>>, vector<1x128xf32>,
    %slice3A_104 = vector.extract_strided_slice %dot_general3A_5 {offsets = [0, 3200], sizes = [1, 128], strides = [1, 1]} : vector<1x10240xf32> to vector<1x128xf32>
    %swap3A_105 = arith.constant 25 : index
    %swap3A_106 = arith.constant 0 : index
    %swap3A_107 = vector.load %arg13[%swap3A_105, %swap3A_106] : memref<80x128xf32, #tpu.memory_space<vmem>>, vector<1x128xf32>
    tpu.vector_store %arg13[%swap3A_105, %swap3A_106], %slice3A_104 {strides = array<i32>} : memref<80x128xf32, #tpu.memory_space<vmem>>, vector<1x128xf32>,
    %slice3A_108 = vector.extract_strided_slice %dot_general3A_5 {offsets = [0, 3328], sizes = [1, 128], strides = [1, 1]} : vector<1x10240xf32> to vector<1x128xf32>
    %swap3A_109 = arith.constant 26 : index
    %swap3A_110 = arith.constant 0 : index
    %swap3A_111 = vector.load %arg13[%swap3A_109, %swap3A_110] : memref<80x128xf32, #tpu.memory_space<vmem>>, vector<1x128xf32>
    tpu.vector_store %arg13[%swap3A_109, %swap3A_110], %slice3A_108 {strides = array<i32>} : memref<80x128xf32, #tpu.memory_space<vmem>>, vector<1x128xf32>,
    %slice3A_112 = vector.extract_strided_slice %dot_general3A_5 {offsets = [0, 3456], sizes = [1, 128], strides = [1, 1]} : vector<1x10240xf32> to vector<1x128xf32>
    %swap3A_113 = arith.constant 27 : index
    %swap3A_114 = arith.constant 0 : index
    %swap3A_115 = vector.load %arg13[%swap3A_113, %swap3A_114] : memref<80x128xf32, #tpu.memory_space<vmem>>, vector<1x128xf32>
    tpu.vector_store %arg13[%swap3A_113, %swap3A_114], %slice3A_112 {strides = array<i32>} : memref<80x128xf32, #tpu.memory_space<vmem>>, vector<1x128xf32>,
    %slice3A_116 = vector.extract_strided_slice %dot_general3A_5 {offsets = [0, 3584], sizes = [1, 128], strides = [1, 1]} : vector<1x10240xf32> to vector<1x128xf32>
    %swap3A_117 = arith.constant 28 : index
    %swap3A_118 = arith.constant 0 : index
    %swap3A_119 = vector.load %arg13[%swap3A_117, %swap3A_118] : memref<80x128xf32, #tpu.memory_space<vmem>>, vector<1x128xf32>
    tpu.vector_store %arg13[%swap3A_117, %swap3A_118], %slice3A_116 {strides = array<i32>} : memref<80x128xf32, #tpu.memory_space<vmem>>, vector<1x128xf32>,
    %slice3A_120 = vector.extract_strided_slice %dot_general3A_5 {offsets = [0, 3712], sizes = [1, 128], strides = [1, 1]} : vector<1x10240xf32> to vector<1x128xf32>
    %swap3A_121 = arith.constant 29 : index
    %swap3A_122 = arith.constant 0 : index
    %swap3A_123 = vector.load %arg13[%swap3A_121, %swap3A_122] : memref<80x128xf32, #tpu.memory_space<vmem>>, vector<1x128xf32>
    tpu.vector_store %arg13[%swap3A_121, %swap3A_122], %slice3A_120 {strides = array<i32>} : memref<80x128xf32, #tpu.memory_space<vmem>>, vector<1x128xf32>,
    %slice3A_124 = vector.extract_strided_slice %dot_general3A_5 {offsets = [0, 3840], sizes = [1, 128], strides = [1, 1]} : vector<1x10240xf32> to vector<1x128xf32>
    %swap3A_125 = arith.constant 30 : index
    %swap3A_126 = arith.constant 0 : index
    %swap3A_127 = vector.load %arg13[%swap3A_125, %swap3A_126] : memref<80x128xf32, #tpu.memory_space<vmem>>, vector<1x128xf32>
    tpu.vector_store %arg13[%swap3A_125, %swap3A_126], %slice3A_124 {strides = array<i32>} : memref<80x128xf32, #tpu.memory_space<vmem>>, vector<1x128xf32>,
    %slice3A_128 = vector.extract_strided_slice %dot_general3A_5 {offsets = [0, 3968], sizes = [1, 128], strides = [1, 1]} : vector<1x10240xf32> to vector<1x128xf32>
    %swap3A_129 = arith.constant 31 : index
    %swap3A_130 = arith.constant 0 : index
    %swap3A_131 = vector.load %arg13[%swap3A_129, %swap3A_130] : memref<80x128xf32, #tpu.memory_space<vmem>>, vector<1x128xf32>
    tpu.vector_store %arg13[%swap3A_129, %swap3A_130], %slice3A_128 {strides = array<i32>} : memref<80x128xf32, #tpu.memory_space<vmem>>, vector<1x128xf32>,
    %slice3A_132 = vector.extract_strided_slice %dot_general3A_5 {offsets = [0, 4096], sizes = [1, 128], strides = [1, 1]} : vector<1x10240xf32> to vector<1x128xf32>
    %swap3A_133 = arith.constant 32 : index
    %swap3A_134 = arith.constant 0 : index
    %swap3A_135 = vector.load %arg13[%swap3A_133, %swap3A_134] : memref<80x128xf32, #tpu.memory_space<vmem>>, vector<1x128xf32>
    tpu.vector_store %arg13[%swap3A_133, %swap3A_134], %slice3A_132 {strides = array<i32>} : memref<80x128xf32, #tpu.memory_space<vmem>>, vector<1x128xf32>,
    %slice3A_136 = vector.extract_strided_slice %dot_general3A_5 {offsets = [0, 4224], sizes = [1, 128], strides = [1, 1]} : vector<1x10240xf32> to vector<1x128xf32>
    %swap3A_137 = arith.constant 33 : index
    %swap3A_138 = arith.constant 0 : index
    %swap3A_139 = vector.load %arg13[%swap3A_137, %swap3A_138] : memref<80x128xf32, #tpu.memory_space<vmem>>, vector<1x128xf32>
    tpu.vector_store %arg13[%swap3A_137, %swap3A_138], %slice3A_136 {strides = array<i32>} : memref<80x128xf32, #tpu.memory_space<vmem>>, vector<1x128xf32>,
    %slice3A_140 = vector.extract_strided_slice %dot_general3A_5 {offsets = [0, 4352], sizes = [1, 128], strides = [1, 1]} : vector<1x10240xf32> to vector<1x128xf32>
    %swap3A_141 = arith.constant 34 : index
    %swap3A_142 = arith.constant 0 : index
    %swap3A_143 = vector.load %arg13[%swap3A_141, %swap3A_142] : memref<80x128xf32, #tpu.memory_space<vmem>>, vector<1x128xf32>
    tpu.vector_store %arg13[%swap3A_141, %swap3A_142], %slice3A_140 {strides = array<i32>} : memref<80x128xf32, #tpu.memory_space<vmem>>, vector<1x128xf32>,
    %slice3A_144 = vector.extract_strided_slice %dot_general3A_5 {offsets = [0, 4480], sizes = [1, 128], strides = [1, 1]} : vector<1x10240xf32> to vector<1x128xf32>
    %swap3A_145 = arith.constant 35 : index
    %swap3A_146 = arith.constant 0 : index
    %swap3A_147 = vector.load %arg13[%swap3A_145, %swap3A_146] : memref<80x128xf32, #tpu.memory_space<vmem>>, vector<1x128xf32>
    tpu.vector_store %arg13[%swap3A_145, %swap3A_146], %slice3A_144 {strides = array<i32>} : memref<80x128xf32, #tpu.memory_space<vmem>>, vector<1x128xf32>,
    %slice3A_148 = vector.extract_strided_slice %dot_general3A_5 {offsets = [0, 4608], sizes = [1, 128], strides = [1, 1]} : vector<1x10240xf32> to vector<1x128xf32>
    %swap3A_149 = arith.constant 36 : index
    %swap3A_150 = arith.constant 0 : index
    %swap3A_151 = vector.load %arg13[%swap3A_149, %swap3A_150] : memref<80x128xf32, #tpu.memory_space<vmem>>, vector<1x128xf32>
    tpu.vector_store %arg13[%swap3A_149, %swap3A_150], %slice3A_148 {strides = array<i32>} : memref<80x128xf32, #tpu.memory_space<vmem>>, vector<1x128xf32>,
    %slice3A_152 = vector.extract_strided_slice %dot_general3A_5 {offsets = [0, 4736], sizes = [1, 128], strides = [1, 1]} : vector<1x10240xf32> to vector<1x128xf32>
    %swap3A_153 = arith.constant 37 : index
    %swap3A_154 = arith.constant 0 : index
    %swap3A_155 = vector.load %arg13[%swap3A_153, %swap3A_154] : memref<80x128xf32, #tpu.memory_space<vmem>>, vector<1x128xf32>
    tpu.vector_store %arg13[%swap3A_153, %swap3A_154], %slice3A_152 {strides = array<i32>} : memref<80x128xf32, #tpu.memory_space<vmem>>, vector<1x128xf32>,
    %slice3A_156 = vector.extract_strided_slice %dot_general3A_5 {offsets = [0, 4864], sizes = [1, 128], strides = [1, 1]} : vector<1x10240xf32> to vector<1x128xf32>
    %swap3A_157 = arith.constant 38 : index
    %swap3A_158 = arith.constant 0 : index
    %swap3A_159 = vector.load %arg13[%swap3A_157, %swap3A_158] : memref<80x128xf32, #tpu.memory_space<vmem>>, vector<1x128xf32>
    tpu.vector_store %arg13[%swap3A_157, %swap3A_158], %slice3A_156 {strides = array<i32>} : memref<80x128xf32, #tpu.memory_space<vmem>>, vector<1x128xf32>,
    %slice3A_160 = vector.extract_strided_slice %dot_general3A_5 {offsets = [0, 4992], sizes = [1, 128], strides = [1, 1]} : vector<1x10240xf32> to vector<1x128xf32>
    %swap3A_161 = arith.constant 39 : index
    %swap3A_162 = arith.constant 0 : index
    %swap3A_163 = vector.load %arg13[%swap3A_161, %swap3A_162] : memref<80x128xf32, #tpu.memory_space<vmem>>, vector<1x128xf32>
    tpu.vector_store %arg13[%swap3A_161, %swap3A_162], %slice3A_160 {strides = array<i32>} : memref<80x128xf32, #tpu.memory_space<vmem>>, vector<1x128xf32>,
    %slice3A_164 = vector.extract_strided_slice %dot_general3A_5 {offsets = [0, 5120], sizes = [1, 128], strides = [1, 1]} : vector<1x10240xf32> to vector<1x128xf32>
    %swap3A_165 = arith.constant 40 : index
    %swap3A_166 = arith.constant 0 : index
    %swap3A_167 = vector.load %arg13[%swap3A_165, %swap3A_166] : memref<80x128xf32, #tpu.memory_space<vmem>>, vector<1x128xf32>
    tpu.vector_store %arg13[%swap3A_165, %swap3A_166], %slice3A_164 {strides = array<i32>} : memref<80x128xf32, #tpu.memory_space<vmem>>, vector<1x128xf32>,
    %slice3A_168 = vector.extract_strided_slice %dot_general3A_5 {offsets = [0, 5248], sizes = [1, 128], strides = [1, 1]} : vector<1x10240xf32> to vector<1x128xf32>
    %swap3A_169 = arith.constant 41 : index
    %swap3A_170 = arith.constant 0 : index
    %swap3A_171 = vector.load %arg13[%swap3A_169, %swap3A_170] : memref<80x128xf32, #tpu.memory_space<vmem>>, vector<1x128xf32>
    tpu.vector_store %arg13[%swap3A_169, %swap3A_170], %slice3A_168 {strides = array<i32>} : memref<80x128xf32, #tpu.memory_space<vmem>>, vector<1x128xf32>,
    %slice3A_172 = vector.extract_strided_slice %dot_general3A_5 {offsets = [0, 5376], sizes = [1, 128], strides = [1, 1]} : vector<1x10240xf32> to vector<1x128xf32>
    %swap3A_173 = arith.constant 42 : index
    %swap3A_174 = arith.constant 0 : index
    %swap3A_175 = vector.load %arg13[%swap3A_173, %swap3A_174] : memref<80x128xf32, #tpu.memory_space<vmem>>, vector<1x128xf32>
    tpu.vector_store %arg13[%swap3A_173, %swap3A_174], %slice3A_172 {strides = array<i32>} : memref<80x128xf32, #tpu.memory_space<vmem>>, vector<1x128xf32>,
    %slice3A_176 = vector.extract_strided_slice %dot_general3A_5 {offsets = [0, 5504], sizes = [1, 128], strides = [1, 1]} : vector<1x10240xf32> to vector<1x128xf32>
    %swap3A_177 = arith.constant 43 : index
    %swap3A_178 = arith.constant 0 : index
    %swap3A_179 = vector.load %arg13[%swap3A_177, %swap3A_178] : memref<80x128xf32, #tpu.memory_space<vmem>>, vector<1x128xf32>
    tpu.vector_store %arg13[%swap3A_177, %swap3A_178], %slice3A_176 {strides = array<i32>} : memref<80x128xf32, #tpu.memory_space<vmem>>, vector<1x128xf32>,
    %slice3A_180 = vector.extract_strided_slice %dot_general3A_5 {offsets = [0, 5632], sizes = [1, 128], strides = [1, 1]} : vector<1x10240xf32> to vector<1x128xf32>
    %swap3A_181 = arith.constant 44 : index
    %swap3A_182 = arith.constant 0 : index
    %swap3A_183 = vector.load %arg13[%swap3A_181, %swap3A_182] : memref<80x128xf32, #tpu.memory_space<vmem>>, vector<1x128xf32>
    tpu.vector_store %arg13[%swap3A_181, %swap3A_182], %slice3A_180 {strides = array<i32>} : memref<80x128xf32, #tpu.memory_space<vmem>>, vector<1x128xf32>,
    %slice3A_184 = vector.extract_strided_slice %dot_general3A_5 {offsets = [0, 5760], sizes = [1, 128], strides = [1, 1]} : vector<1x10240xf32> to vector<1x128xf32>
    %swap3A_185 = arith.constant 45 : index
    %swap3A_186 = arith.constant 0 : index
    %swap3A_187 = vector.load %arg13[%swap3A_185, %swap3A_186] : memref<80x128xf32, #tpu.memory_space<vmem>>, vector<1x128xf32>
    tpu.vector_store %arg13[%swap3A_185, %swap3A_186], %slice3A_184 {strides = array<i32>} : memref<80x128xf32, #tpu.memory_space<vmem>>, vector<1x128xf32>,
    %slice3A_188 = vector.extract_strided_slice %dot_general3A_5 {offsets = [0, 5888], sizes = [1, 128], strides = [1, 1]} : vector<1x10240xf32> to vector<1x128xf32>
    %swap3A_189 = arith.constant 46 : index
    %swap3A_190 = arith.constant 0 : index
    %swap3A_191 = vector.load %arg13[%swap3A_189, %swap3A_190] : memref<80x128xf32, #tpu.memory_space<vmem>>, vector<1x128xf32>
    tpu.vector_store %arg13[%swap3A_189, %swap3A_190], %slice3A_188 {strides = array<i32>} : memref<80x128xf32, #tpu.memory_space<vmem>>, vector<1x128xf32>,
    %slice3A_192 = vector.extract_strided_slice %dot_general3A_5 {offsets = [0, 6016], sizes = [1, 128], strides = [1, 1]} : vector<1x10240xf32> to vector<1x128xf32>
    %swap3A_193 = arith.constant 47 : index
    %swap3A_194 = arith.constant 0 : index
    %swap3A_195 = vector.load %arg13[%swap3A_193, %swap3A_194] : memref<80x128xf32, #tpu.memory_space<vmem>>, vector<1x128xf32>
    tpu.vector_store %arg13[%swap3A_193, %swap3A_194], %slice3A_192 {strides = array<i32>} : memref<80x128xf32, #tpu.memory_space<vmem>>, vector<1x128xf32>,
    %slice3A_196 = vector.extract_strided_slice %dot_general3A_5 {offsets = [0, 6144], sizes = [1, 128], strides = [1, 1]} : vector<1x10240xf32> to vector<1x128xf32>
    %swap3A_197 = arith.constant 48 : index
    %swap3A_198 = arith.constant 0 : index
    %swap3A_199 = vector.load %arg13[%swap3A_197, %swap3A_198] : memref<80x128xf32, #tpu.memory_space<vmem>>, vector<1x128xf32>
    tpu.vector_store %arg13[%swap3A_197, %swap3A_198], %slice3A_196 {strides = array<i32>} : memref<80x128xf32, #tpu.memory_space<vmem>>, vector<1x128xf32>,
    %slice3A_200 = vector.extract_strided_slice %dot_general3A_5 {offsets = [0, 6272], sizes = [1, 128], strides = [1, 1]} : vector<1x10240xf32> to vector<1x128xf32>
    %swap3A_201 = arith.constant 49 : index
    %swap3A_202 = arith.constant 0 : index
    %swap3A_203 = vector.load %arg13[%swap3A_201, %swap3A_202] : memref<80x128xf32, #tpu.memory_space<vmem>>, vector<1x128xf32>
    tpu.vector_store %arg13[%swap3A_201, %swap3A_202], %slice3A_200 {strides = array<i32>} : memref<80x128xf32, #tpu.memory_space<vmem>>, vector<1x128xf32>,
    %slice3A_204 = vector.extract_strided_slice %dot_general3A_5 {offsets = [0, 6400], sizes = [1, 128], strides = [1, 1]} : vector<1x10240xf32> to vector<1x128xf32>
    %swap3A_205 = arith.constant 50 : index
    %swap3A_206 = arith.constant 0 : index
    %swap3A_207 = vector.load %arg13[%swap3A_205, %swap3A_206] : memref<80x128xf32, #tpu.memory_space<vmem>>, vector<1x128xf32>
    tpu.vector_store %arg13[%swap3A_205, %swap3A_206], %slice3A_204 {strides = array<i32>} : memref<80x128xf32, #tpu.memory_space<vmem>>, vector<1x128xf32>,
    %slice3A_208 = vector.extract_strided_slice %dot_general3A_5 {offsets = [0, 6528], sizes = [1, 128], strides = [1, 1]} : vector<1x10240xf32> to vector<1x128xf32>
    %swap3A_209 = arith.constant 51 : index
    %swap3A_210 = arith.constant 0 : index
    %swap3A_211 = vector.load %arg13[%swap3A_209, %swap3A_210] : memref<80x128xf32, #tpu.memory_space<vmem>>, vector<1x128xf32>
    tpu.vector_store %arg13[%swap3A_209, %swap3A_210], %slice3A_208 {strides = array<i32>} : memref<80x128xf32, #tpu.memory_space<vmem>>, vector<1x128xf32>,
    %slice3A_212 = vector.extract_strided_slice %dot_general3A_5 {offsets = [0, 6656], sizes = [1, 128], strides = [1, 1]} : vector<1x10240xf32> to vector<1x128xf32>
    %swap3A_213 = arith.constant 52 : index
    %swap3A_214 = arith.constant 0 : index
    %swap3A_215 = vector.load %arg13[%swap3A_213, %swap3A_214] : memref<80x128xf32, #tpu.memory_space<vmem>>, vector<1x128xf32>
    tpu.vector_store %arg13[%swap3A_213, %swap3A_214], %slice3A_212 {strides = array<i32>} : memref<80x128xf32, #tpu.memory_space<vmem>>, vector<1x128xf32>,
    %slice3A_216 = vector.extract_strided_slice %dot_general3A_5 {offsets = [0, 6784], sizes = [1, 128], strides = [1, 1]} : vector<1x10240xf32> to vector<1x128xf32>
    %swap3A_217 = arith.constant 53 : index
    %swap3A_218 = arith.constant 0 : index
    %swap3A_219 = vector.load %arg13[%swap3A_217, %swap3A_218] : memref<80x128xf32, #tpu.memory_space<vmem>>, vector<1x128xf32>
    tpu.vector_store %arg13[%swap3A_217, %swap3A_218], %slice3A_216 {strides = array<i32>} : memref<80x128xf32, #tpu.memory_space<vmem>>, vector<1x128xf32>,
    %slice3A_220 = vector.extract_strided_slice %dot_general3A_5 {offsets = [0, 6912], sizes = [1, 128], strides = [1, 1]} : vector<1x10240xf32> to vector<1x128xf32>
    %swap3A_221 = arith.constant 54 : index
    %swap3A_222 = arith.constant 0 : index
    %swap3A_223 = vector.load %arg13[%swap3A_221, %swap3A_222] : memref<80x128xf32, #tpu.memory_space<vmem>>, vector<1x128xf32>
    tpu.vector_store %arg13[%swap3A_221, %swap3A_222], %slice3A_220 {strides = array<i32>} : memref<80x128xf32, #tpu.memory_space<vmem>>, vector<1x128xf32>,
    %slice3A_224 = vector.extract_strided_slice %dot_general3A_5 {offsets = [0, 7040], sizes = [1, 128], strides = [1, 1]} : vector<1x10240xf32> to vector<1x128xf32>
    %swap3A_225 = arith.constant 55 : index
    %swap3A_226 = arith.constant 0 : index
    %swap3A_227 = vector.load %arg13[%swap3A_225, %swap3A_226] : memref<80x128xf32, #tpu.memory_space<vmem>>, vector<1x128xf32>
    tpu.vector_store %arg13[%swap3A_225, %swap3A_226], %slice3A_224 {strides = array<i32>} : memref<80x128xf32, #tpu.memory_space<vmem>>, vector<1x128xf32>,
    %slice3A_228 = vector.extract_strided_slice %dot_general3A_5 {offsets = [0, 7168], sizes = [1, 128], strides = [1, 1]} : vector<1x10240xf32> to vector<1x128xf32>
    %swap3A_229 = arith.constant 56 : index
    %swap3A_230 = arith.constant 0 : index
    %swap3A_231 = vector.load %arg13[%swap3A_229, %swap3A_230] : memref<80x128xf32, #tpu.memory_space<vmem>>, vector<1x128xf32>
    tpu.vector_store %arg13[%swap3A_229, %swap3A_230], %slice3A_228 {strides = array<i32>} : memref<80x128xf32, #tpu.memory_space<vmem>>, vector<1x128xf32>,
    %slice3A_232 = vector.extract_strided_slice %dot_general3A_5 {offsets = [0, 7296], sizes = [1, 128], strides = [1, 1]} : vector<1x10240xf32> to vector<1x128xf32>
    %swap3A_233 = arith.constant 57 : index
    %swap3A_234 = arith.constant 0 : index
    %swap3A_235 = vector.load %arg13[%swap3A_233, %swap3A_234] : memref<80x128xf32, #tpu.memory_space<vmem>>, vector<1x128xf32>
    tpu.vector_store %arg13[%swap3A_233, %swap3A_234], %slice3A_232 {strides = array<i32>} : memref<80x128xf32, #tpu.memory_space<vmem>>, vector<1x128xf32>,
    %slice3A_236 = vector.extract_strided_slice %dot_general3A_5 {offsets = [0, 7424], sizes = [1, 128], strides = [1, 1]} : vector<1x10240xf32> to vector<1x128xf32>
    %swap3A_237 = arith.constant 58 : index
    %swap3A_238 = arith.constant 0 : index
    %swap3A_239 = vector.load %arg13[%swap3A_237, %swap3A_238] : memref<80x128xf32, #tpu.memory_space<vmem>>, vector<1x128xf32>
    tpu.vector_store %arg13[%swap3A_237, %swap3A_238], %slice3A_236 {strides = array<i32>} : memref<80x128xf32, #tpu.memory_space<vmem>>, vector<1x128xf32>,
    %slice3A_240 = vector.extract_strided_slice %dot_general3A_5 {offsets = [0, 7552], sizes = [1, 128], strides = [1, 1]} : vector<1x10240xf32> to vector<1x128xf32>
    %swap3A_241 = arith.constant 59 : index
    %swap3A_242 = arith.constant 0 : index
    %swap3A_243 = vector.load %arg13[%swap3A_241, %swap3A_242] : memref<80x128xf32, #tpu.memory_space<vmem>>, vector<1x128xf32>
    tpu.vector_store %arg13[%swap3A_241, %swap3A_242], %slice3A_240 {strides = array<i32>} : memref<80x128xf32, #tpu.memory_space<vmem>>, vector<1x128xf32>,
    %slice3A_244 = vector.extract_strided_slice %dot_general3A_5 {offsets = [0, 7680], sizes = [1, 128], strides = [1, 1]} : vector<1x10240xf32> to vector<1x128xf32>
    %swap3A_245 = arith.constant 60 : index
    %swap3A_246 = arith.constant 0 : index
    %swap3A_247 = vector.load %arg13[%swap3A_245, %swap3A_246] : memref<80x128xf32, #tpu.memory_space<vmem>>, vector<1x128xf32>
    tpu.vector_store %arg13[%swap3A_245, %swap3A_246], %slice3A_244 {strides = array<i32>} : memref<80x128xf32, #tpu.memory_space<vmem>>, vector<1x128xf32>,
    %slice3A_248 = vector.extract_strided_slice %dot_general3A_5 {offsets = [0, 7808], sizes = [1, 128], strides = [1, 1]} : vector<1x10240xf32> to vector<1x128xf32>
    %swap3A_249 = arith.constant 61 : index
    %swap3A_250 = arith.constant 0 : index
    %swap3A_251 = vector.load %arg13[%swap3A_249, %swap3A_250] : memref<80x128xf32, #tpu.memory_space<vmem>>, vector<1x128xf32>
    tpu.vector_store %arg13[%swap3A_249, %swap3A_250], %slice3A_248 {strides = array<i32>} : memref<80x128xf32, #tpu.memory_space<vmem>>, vector<1x128xf32>,
    %slice3A_252 = vector.extract_strided_slice %dot_general3A_5 {offsets = [0, 7936], sizes = [1, 128], strides = [1, 1]} : vector<1x10240xf32> to vector<1x128xf32>
    %swap3A_253 = arith.constant 62 : index
    %swap3A_254 = arith.constant 0 : index
    %swap3A_255 = vector.load %arg13[%swap3A_253, %swap3A_254] : memref<80x128xf32, #tpu.memory_space<vmem>>, vector<1x128xf32>
    tpu.vector_store %arg13[%swap3A_253, %swap3A_254], %slice3A_252 {strides = array<i32>} : memref<80x128xf32, #tpu.memory_space<vmem>>, vector<1x128xf32>,
    %slice3A_256 = vector.extract_strided_slice %dot_general3A_5 {offsets = [0, 8064], sizes = [1, 128], strides = [1, 1]} : vector<1x10240xf32> to vector<1x128xf32>
    %swap3A_257 = arith.constant 63 : index
    %swap3A_258 = arith.constant 0 : index
    %swap3A_259 = vector.load %arg13[%swap3A_257, %swap3A_258] : memref<80x128xf32, #tpu.memory_space<vmem>>, vector<1x128xf32>
    tpu.vector_store %arg13[%swap3A_257, %swap3A_258], %slice3A_256 {strides = array<i32>} : memref<80x128xf32, #tpu.memory_space<vmem>>, vector<1x128xf32>,
    %slice3A_260 = vector.extract_strided_slice %dot_general3A_5 {offsets = [0, 8192], sizes = [1, 128], strides = [1, 1]} : vector<1x10240xf32> to vector<1x128xf32>
    %swap3A_261 = arith.constant 64 : index
    %swap3A_262 = arith.constant 0 : index
    %swap3A_263 = vector.load %arg13[%swap3A_261, %swap3A_262] : memref<80x128xf32, #tpu.memory_space<vmem>>, vector<1x128xf32>
    tpu.vector_store %arg13[%swap3A_261, %swap3A_262], %slice3A_260 {strides = array<i32>} : memref<80x128xf32, #tpu.memory_space<vmem>>, vector<1x128xf32>,
    %slice3A_264 = vector.extract_strided_slice %dot_general3A_5 {offsets = [0, 8320], sizes = [1, 128], strides = [1, 1]} : vector<1x10240xf32> to vector<1x128xf32>
    %swap3A_265 = arith.constant 65 : index
    %swap3A_266 = arith.constant 0 : index
    %swap3A_267 = vector.load %arg13[%swap3A_265, %swap3A_266] : memref<80x128xf32, #tpu.memory_space<vmem>>, vector<1x128xf32>
    tpu.vector_store %arg13[%swap3A_265, %swap3A_266], %slice3A_264 {strides = array<i32>} : memref<80x128xf32, #tpu.memory_space<vmem>>, vector<1x128xf32>,
    %slice3A_268 = vector.extract_strided_slice %dot_general3A_5 {offsets = [0, 8448], sizes = [1, 128], strides = [1, 1]} : vector<1x10240xf32> to vector<1x128xf32>
    %swap3A_269 = arith.constant 66 : index
    %swap3A_270 = arith.constant 0 : index
    %swap3A_271 = vector.load %arg13[%swap3A_269, %swap3A_270] : memref<80x128xf32, #tpu.memory_space<vmem>>, vector<1x128xf32>
    tpu.vector_store %arg13[%swap3A_269, %swap3A_270], %slice3A_268 {strides = array<i32>} : memref<80x128xf32, #tpu.memory_space<vmem>>, vector<1x128xf32>,
    %slice3A_272 = vector.extract_strided_slice %dot_general3A_5 {offsets = [0, 8576], sizes = [1, 128], strides = [1, 1]} : vector<1x10240xf32> to vector<1x128xf32>
    %swap3A_273 = arith.constant 67 : index
    %swap3A_274 = arith.constant 0 : index
    %swap3A_275 = vector.load %arg13[%swap3A_273, %swap3A_274] : memref<80x128xf32, #tpu.memory_space<vmem>>, vector<1x128xf32>
    tpu.vector_store %arg13[%swap3A_273, %swap3A_274], %slice3A_272 {strides = array<i32>} : memref<80x128xf32, #tpu.memory_space<vmem>>, vector<1x128xf32>,
    %slice3A_276 = vector.extract_strided_slice %dot_general3A_5 {offsets = [0, 8704], sizes = [1, 128], strides = [1, 1]} : vector<1x10240xf32> to vector<1x128xf32>
    %swap3A_277 = arith.constant 68 : index
    %swap3A_278 = arith.constant 0 : index
    %swap3A_279 = vector.load %arg13[%swap3A_277, %swap3A_278] : memref<80x128xf32, #tpu.memory_space<vmem>>, vector<1x128xf32>
    tpu.vector_store %arg13[%swap3A_277, %swap3A_278], %slice3A_276 {strides = array<i32>} : memref<80x128xf32, #tpu.memory_space<vmem>>, vector<1x128xf32>,
    %slice3A_280 = vector.extract_strided_slice %dot_general3A_5 {offsets = [0, 8832], sizes = [1, 128], strides = [1, 1]} : vector<1x10240xf32> to vector<1x128xf32>
    %swap3A_281 = arith.constant 69 : index
    %swap3A_282 = arith.constant 0 : index
    %swap3A_283 = vector.load %arg13[%swap3A_281, %swap3A_282] : memref<80x128xf32, #tpu.memory_space<vmem>>, vector<1x128xf32>
    tpu.vector_store %arg13[%swap3A_281, %swap3A_282], %slice3A_280 {strides = array<i32>} : memref<80x128xf32, #tpu.memory_space<vmem>>, vector<1x128xf32>,
    %slice3A_284 = vector.extract_strided_slice %dot_general3A_5 {offsets = [0, 8960], sizes = [1, 128], strides = [1, 1]} : vector<1x10240xf32> to vector<1x128xf32>
    %swap3A_285 = arith.constant 70 : index
    %swap3A_286 = arith.constant 0 : index
    %swap3A_287 = vector.load %arg13[%swap3A_285, %swap3A_286] : memref<80x128xf32, #tpu.memory_space<vmem>>, vector<1x128xf32>
    tpu.vector_store %arg13[%swap3A_285, %swap3A_286], %slice3A_284 {strides = array<i32>} : memref<80x128xf32, #tpu.memory_space<vmem>>, vector<1x128xf32>,
    %slice3A_288 = vector.extract_strided_slice %dot_general3A_5 {offsets = [0, 9088], sizes = [1, 128], strides = [1, 1]} : vector<1x10240xf32> to vector<1x128xf32>
    %swap3A_289 = arith.constant 71 : index
    %swap3A_290 = arith.constant 0 : index
    %swap3A_291 = vector.load %arg13[%swap3A_289, %swap3A_290] : memref<80x128xf32, #tpu.memory_space<vmem>>, vector<1x128xf32>
    tpu.vector_store %arg13[%swap3A_289, %swap3A_290], %slice3A_288 {strides = array<i32>} : memref<80x128xf32, #tpu.memory_space<vmem>>, vector<1x128xf32>,
    %slice3A_292 = vector.extract_strided_slice %dot_general3A_5 {offsets = [0, 9216], sizes = [1, 128], strides = [1, 1]} : vector<1x10240xf32> to vector<1x128xf32>
    %swap3A_293 = arith.constant 72 : index
    %swap3A_294 = arith.constant 0 : index
    %swap3A_295 = vector.load %arg13[%swap3A_293, %swap3A_294] : memref<80x128xf32, #tpu.memory_space<vmem>>, vector<1x128xf32>
    tpu.vector_store %arg13[%swap3A_293, %swap3A_294], %slice3A_292 {strides = array<i32>} : memref<80x128xf32, #tpu.memory_space<vmem>>, vector<1x128xf32>,
    %slice3A_296 = vector.extract_strided_slice %dot_general3A_5 {offsets = [0, 9344], sizes = [1, 128], strides = [1, 1]} : vector<1x10240xf32> to vector<1x128xf32>
    %swap3A_297 = arith.constant 73 : index
    %swap3A_298 = arith.constant 0 : index
    %swap3A_299 = vector.load %arg13[%swap3A_297, %swap3A_298] : memref<80x128xf32, #tpu.memory_space<vmem>>, vector<1x128xf32>
    tpu.vector_store %arg13[%swap3A_297, %swap3A_298], %slice3A_296 {strides = array<i32>} : memref<80x128xf32, #tpu.memory_space<vmem>>, vector<1x128xf32>,
    %slice3A_300 = vector.extract_strided_slice %dot_general3A_5 {offsets = [0, 9472], sizes = [1, 128], strides = [1, 1]} : vector<1x10240xf32> to vector<1x128xf32>
    %swap3A_301 = arith.constant 74 : index
    %swap3A_302 = arith.constant 0 : index
    %swap3A_303 = vector.load %arg13[%swap3A_301, %swap3A_302] : memref<80x128xf32, #tpu.memory_space<vmem>>, vector<1x128xf32>
    tpu.vector_store %arg13[%swap3A_301, %swap3A_302], %slice3A_300 {strides = array<i32>} : memref<80x128xf32, #tpu.memory_space<vmem>>, vector<1x128xf32>,
    %slice3A_304 = vector.extract_strided_slice %dot_general3A_5 {offsets = [0, 9600], sizes = [1, 128], strides = [1, 1]} : vector<1x10240xf32> to vector<1x128xf32>
    %swap3A_305 = arith.constant 75 : index
    %swap3A_306 = arith.constant 0 : index
    %swap3A_307 = vector.load %arg13[%swap3A_305, %swap3A_306] : memref<80x128xf32, #tpu.memory_space<vmem>>, vector<1x128xf32>
    tpu.vector_store %arg13[%swap3A_305, %swap3A_306], %slice3A_304 {strides = array<i32>} : memref<80x128xf32, #tpu.memory_space<vmem>>, vector<1x128xf32>,
    %slice3A_308 = vector.extract_strided_slice %dot_general3A_5 {offsets = [0, 9728], sizes = [1, 128], strides = [1, 1]} : vector<1x10240xf32> to vector<1x128xf32>
    %swap3A_309 = arith.constant 76 : index
    %swap3A_310 = arith.constant 0 : index
    %swap3A_311 = vector.load %arg13[%swap3A_309, %swap3A_310] : memref<80x128xf32, #tpu.memory_space<vmem>>, vector<1x128xf32>
    tpu.vector_store %arg13[%swap3A_309, %swap3A_310], %slice3A_308 {strides = array<i32>} : memref<80x128xf32, #tpu.memory_space<vmem>>, vector<1x128xf32>,
    %slice3A_312 = vector.extract_strided_slice %dot_general3A_5 {offsets = [0, 9856], sizes = [1, 128], strides = [1, 1]} : vector<1x10240xf32> to vector<1x128xf32>
    %swap3A_313 = arith.constant 77 : index
    %swap3A_314 = arith.constant 0 : index
    %swap3A_315 = vector.load %arg13[%swap3A_313, %swap3A_314] : memref<80x128xf32, #tpu.memory_space<vmem>>, vector<1x128xf32>
    tpu.vector_store %arg13[%swap3A_313, %swap3A_314], %slice3A_312 {strides = array<i32>} : memref<80x128xf32, #tpu.memory_space<vmem>>, vector<1x128xf32>,
    %slice3A_316 = vector.extract_strided_slice %dot_general3A_5 {offsets = [0, 9984], sizes = [1, 128], strides = [1, 1]} : vector<1x10240xf32> to vector<1x128xf32>
    %swap3A_317 = arith.constant 78 : index
    %swap3A_318 = arith.constant 0 : index
    %swap3A_319 = vector.load %arg13[%swap3A_317, %swap3A_318] : memref<80x128xf32, #tpu.memory_space<vmem>>, vector<1x128xf32>
    tpu.vector_store %arg13[%swap3A_317, %swap3A_318], %slice3A_316 {strides = array<i32>} : memref<80x128xf32, #tpu.memory_space<vmem>>, vector<1x128xf32>,
    %slice3A_320 = vector.extract_strided_slice %dot_general3A_5 {offsets = [0, 10112], sizes = [1, 128], strides = [1, 1]} : vector<1x10240xf32> to vector<1x128xf32>
    %swap3A_321 = arith.constant 79 : index
    %swap3A_322 = arith.constant 0 : index
    %swap3A_323 = vector.load %arg13[%swap3A_321, %swap3A_322] : memref<80x128xf32, #tpu.memory_space<vmem>>, vector<1x128xf32>
    tpu.vector_store %arg13[%swap3A_321, %swap3A_322], %slice3A_320 {strides = array<i32>} : memref<80x128xf32, #tpu.memory_space<vmem>>, vector<1x128xf32>,
    %get3A_324 = arith.constant 0 : index
    %get3A_325 = arith.constant 0 : index
    %get3A_326 = vector.load %arg13[%get3A_324, %get3A_325] : memref<80x128xf32, #tpu.memory_space<vmem>>, vector<80x128xf32>
    %iota3A = tpu.iota {dimensions = array<i32: 0>} : vector<80x128xi32>
    %mul3A = arith.constant 128 : i32
    %mul3A_327 = vector.broadcast %mul3A : i32 to vector<80x128xi32>
    %mul3A_328 = arith.muli %iota3A, %mul3A_327 : vector<80x128xi32>
    %iota3A_329 = tpu.iota {dimensions = array<i32: 1>} : vector<80x128xi32>
    %add3A = arith.addi %mul3A_328, %iota3A_329 : vector<80x128xi32>
    %ge3A = arith.constant 10000 : i32
    %ge3A_330 = vector.broadcast %ge3A : i32 to vector<80x128xi32>
    %ge3A_331 = arith.cmpi sge, %add3A, %ge3A_330 : vector<80x128xi32>
    %jit3A = arith.constant 0xFF800000 : f32
    %broadcast_in_dim3A = vector.broadcast %jit3A : f32 to vector<80x128xf32>
    %select_n3A = arith.select %ge3A_331, %broadcast_in_dim3A, %get3A_326 : vector<80x128xi1>, vector<80x128xf32>
    %get3A_332 = arith.constant 0 : index
    %get3A_333 = arith.constant 0 : index
    %get3A_334 = vector.load %arg2[%get3A_332, %get3A_333] : memref<1x128xf32, #tpu.memory_space<vmem>>, vector<1x128xf32>
    %get3A_335 = vector.shape_cast %get3A_334 : vector<1x128xf32> to vector<128xf32>
    %get3A_336 = arith.constant 0 : index
    %get3A_337 = arith.constant 0 : index
    %get3A_338 = vector.load %arg2[%get3A_336, %get3A_337] : memref<1x128xf32, #tpu.memory_space<vmem>>, vector<1x128xf32>
    %get3A_339 = vector.shape_cast %get3A_338 : vector<1x128xf32> to vector<128xf32>
    %mul3A_340 = arith.mulf %get3A_335, %get3A_339 : vector<128xf32>
    %reduce_sum3A = vector.shape_cast %mul3A_340 : vector<128xf32> to vector<1x128xf32>
    %reduce_sum3A_341 = arith.constant dense<0.000000e+00> : vector<1xf32>
    %reduce_sum3A_342 = vector.multi_reduction <add>, %reduce_sum3A, %reduce_sum3A_341 [1] : vector<1x128xf32> to vector<1xf32>
    %reduce_sum3A_343 = vector.shape_cast %reduce_sum3A_342 : vector<1xf32> to vector<1x1xf32>
    %reduce_sum3A_344 = vector.extract %reduce_sum3A_343[0, 0] : f32 from vector<1x1xf32>
    %sqrt3A = math.sqrt %reduce_sum3A_344 : f32
    %div3A = arith.constant 1.000000e+00 : f32
    %div3A_345 = arith.divf %div3A, %sqrt3A : f32
    %scan3A = arith.constant 0 : i32
    %scan3A_346 = arith.constant 128 : i32
    %scan3A_347 = arith.addi %scan3A, %scan3A_346 : i32
    %scan3A_348 = arith.constant 1 : i32
    %scan3A_349 = scf.for %scan3A_433 = %scan3A to %scan3A_347 step %scan3A_348 iter_args(%scan3A_434 = %select_n3A) -> (vector<80x128xf32>)  : i32 {
      %reduce_max3A = vector.shape_cast %scan3A_434 : vector<80x128xf32> to vector<1x80x128xf32>
      %reduce_max3A_435 = arith.constant dense<0xFF800000> : vector<1xf32>
      %reduce_max3A_436 = vector.multi_reduction <maximumf>, %reduce_max3A, %reduce_max3A_435 [1, 2] : vector<1x80x128xf32> to vector<1xf32>
      %reduce_max3A_437 = vector.shape_cast %reduce_max3A_436 : vector<1xf32> to vector<1x1x1xf32>
      %reduce_max3A_438 = vector.extract %reduce_max3A_437[0, 0, 0] : f32 from vector<1x1x1xf32>
      %eq3A = vector.broadcast %reduce_max3A_438 : f32 to vector<80x128xf32>
      %eq3A_439 = arith.cmpf oeq, %scan3A_434, %eq3A : vector<80x128xf32>
      %jit3A_440 = arith.constant 1073741824 : i32
      %broadcast_in_dim3A_441 = vector.broadcast %jit3A_440 : i32 to vector<80x128xi32>
      %select_n3A_442 = arith.select %eq3A_439, %add3A, %broadcast_in_dim3A_441 : vector<80x128xi1>, vector<80x128xi32>
      %reduce_min3A = vector.shape_cast %select_n3A_442 : vector<80x128xi32> to vector<1x80x128xi32>
      %reduce_min3A_443 = arith.constant dense<2147483647> : vector<1xi32>
      %reduce_min3A_444 = vector.multi_reduction <minsi>, %reduce_min3A, %reduce_min3A_443 [1, 2] : vector<1x80x128xi32> to vector<1xi32>
      %reduce_min3A_445 = vector.shape_cast %reduce_min3A_444 : vector<1xi32> to vector<1x1x1xi32>
      %reduce_min3A_446 = vector.extract %reduce_min3A_445[0, 0, 0] : i32 from vector<1x1x1xi32>
      %mul3A_447 = arith.mulf %reduce_max3A_438, %div3A_345 : f32
      %tanh3A_448 = math.tanh %mul3A_447 : f32
      %get3A_449 = arith.index_cast %reduce_min3A_446 : i32 to index
      %get3A_450 = arith.constant 0 : index
      %get3A_451 = vector.load %arg0[%get3A_449, %get3A_450] : memref<10240x128xf32, #tpu.memory_space<vmem>>, vector<1x128xf32>
      %mul3A_452 = vector.broadcast %tanh3A_448 : f32 to vector<1x128xf32>
      %mul3A_453 = arith.mulf %get3A_451, %mul3A_452 : vector<1x128xf32>
      %swap3A_454 = arith.index_cast %scan3A_433 : i32 to index
      %swap3A_455 = arith.constant 0 : index
      %swap3A_456 = vector.load %arg12[%swap3A_454, %swap3A_455] : memref<128x128xf32, #tpu.memory_space<vmem>>, vector<1x128xf32>
      tpu.vector_store %arg12[%swap3A_454, %swap3A_455], %mul3A_453 {strides = array<i32>} : memref<128x128xf32, #tpu.memory_space<vmem>>, vector<1x128xf32>,
      %eq3A_457 = vector.broadcast %reduce_min3A_446 : i32 to vector<80x128xi32>
      %eq3A_458 = arith.cmpi eq, %select_n3A_442, %eq3A_457 : vector<80x128xi32>
      %jit3A_459 = arith.constant 0xFF800000 : f32
      %broadcast_in_dim3A_460 = vector.broadcast %jit3A_459 : f32 to vector<80x128xf32>
      %select_n3A_461 = arith.select %eq3A_458, %broadcast_in_dim3A_460, %scan3A_434 : vector<80x128xi1>, vector<80x128xf32>
      scf.yield %select_n3A_461 : vector<80x128xf32>
    }
    %scan3A_350 = arith.constant 128 : i32
    %get3A_351 = arith.constant 0 : index
    %get3A_352 = arith.constant 0 : index
    %get3A_353 = vector.load %arg12[%get3A_351, %get3A_352] : memref<128x128xf32, #tpu.memory_space<vmem>>, vector<128x128xf32>
    %get3A_354 = arith.constant 0 : index
    %get3A_355 = arith.constant 0 : index
    %get3A_356 = vector.load %arg5[%get3A_354, %get3A_355] : memref<384x128xf32, #tpu.memory_space<vmem>>, vector<384x128xf32>
    %dot_general3A_357 = arith.constant dense<0.000000e+00> : vector<128x384xf32>
    %dot_general3A_358 = tpu.matmul %get3A_353, %get3A_356, %dot_general3A_357 {dimension_numbers = #tpu.dot_dimension_numbers<[1], [1], [0], [0], [0, 0, 1, 0], [], []>, transpose_lhs_hint = false} : vector<128x128xf32>, vector<384x128xf32>, vector<128x384xf32> -> vector<128x384xf32>
    %get3A_359 = arith.constant 0 : index
    %get3A_360 = arith.constant 0 : index
    %get3A_361 = vector.load %arg7[%get3A_359, %get3A_360] : memref<1x384xf32, #tpu.memory_space<vmem>>, vector<1x384xf32>
    %add3A_362 = vector.broadcast %get3A_361 : vector<1x384xf32> to vector<128x384xf32>
    %add3A_363 = arith.addf %dot_general3A_358, %add3A_362 : vector<128x384xf32>
    %get3A_364 = arith.constant 0 : index
    %get3A_365 = arith.constant 0 : index
    %get3A_366 = vector.load %arg4[%get3A_364, %get3A_365] : memref<128x128xf32, #tpu.memory_space<vmem>>, vector<128x128xf32>
    %get3A_367 = arith.constant 0 : index
    %get3A_368 = arith.constant 0 : index
    %get3A_369 = vector.load %arg6[%get3A_367, %get3A_368] : memref<384x128xf32, #tpu.memory_space<vmem>>, vector<384x128xf32>
    %dot_general3A_370 = arith.constant dense<0.000000e+00> : vector<128x384xf32>
    %dot_general3A_371 = tpu.matmul %get3A_366, %get3A_369, %dot_general3A_370 {dimension_numbers = #tpu.dot_dimension_numbers<[1], [1], [0], [0], [0, 0, 1, 0], [], []>, transpose_lhs_hint = false} : vector<128x128xf32>, vector<384x128xf32>, vector<128x384xf32> -> vector<128x384xf32>
    %get3A_372 = arith.constant 0 : index
    %get3A_373 = arith.constant 0 : index
    %get3A_374 = vector.load %arg8[%get3A_372, %get3A_373] : memref<1x384xf32, #tpu.memory_space<vmem>>, vector<1x384xf32>
    %add3A_375 = vector.broadcast %get3A_374 : vector<1x384xf32> to vector<128x384xf32>
    %add3A_376 = arith.addf %dot_general3A_371, %add3A_375 : vector<128x384xf32>
    %slice3A_377 = vector.extract_strided_slice %add3A_363 {offsets = [0, 0], sizes = [128, 128], strides = [1, 1]} : vector<128x384xf32> to vector<128x128xf32>
    %slice3A_378 = vector.extract_strided_slice %add3A_363 {offsets = [0, 128], sizes = [128, 128], strides = [1, 1]} : vector<128x384xf32> to vector<128x128xf32>
    %slice3A_379 = vector.extract_strided_slice %add3A_363 {offsets = [0, 256], sizes = [128, 128], strides = [1, 1]} : vector<128x384xf32> to vector<128x128xf32>
    %slice3A_380 = vector.extract_strided_slice %add3A_376 {offsets = [0, 0], sizes = [128, 128], strides = [1, 1]} : vector<128x384xf32> to vector<128x128xf32>
    %slice3A_381 = vector.extract_strided_slice %add3A_376 {offsets = [0, 128], sizes = [128, 128], strides = [1, 1]} : vector<128x384xf32> to vector<128x128xf32>
    %slice3A_382 = vector.extract_strided_slice %add3A_376 {offsets = [0, 256], sizes = [128, 128], strides = [1, 1]} : vector<128x384xf32> to vector<128x128xf32>
    %add3A_383 = arith.addf %slice3A_377, %slice3A_380 : vector<128x128xf32>
    %logistic3A = arith.negf %add3A_383 : vector<128x128xf32>
    %logistic3A_384 = math.exp %logistic3A : vector<128x128xf32>
    %logistic3A_385 = arith.constant 1.000000e+00 : f32
    %logistic3A_386 = vector.broadcast %logistic3A_385 : f32 to vector<128x128xf32>
    %logistic3A_387 = arith.addf %logistic3A_386, %logistic3A_384 : vector<128x128xf32>
    %logistic3A_388 = arith.divf %logistic3A_386, %logistic3A_387 : vector<128x128xf32>
    %add3A_389 = arith.addf %slice3A_378, %slice3A_381 : vector<128x128xf32>
    %logistic3A_390 = arith.negf %add3A_389 : vector<128x128xf32>
    %logistic3A_391 = math.exp %logistic3A_390 : vector<128x128xf32>
    %logistic3A_392 = arith.constant 1.000000e+00 : f32
    %logistic3A_393 = vector.broadcast %logistic3A_392 : f32 to vector<128x128xf32>
    %logistic3A_394 = arith.addf %logistic3A_393, %logistic3A_391 : vector<128x128xf32>
    %logistic3A_395 = arith.divf %logistic3A_393, %logistic3A_394 : vector<128x128xf32>
    %mul3A_396 = arith.mulf %logistic3A_388, %slice3A_382 : vector<128x128xf32>
    %add3A_397 = arith.addf %slice3A_379, %mul3A_396 : vector<128x128xf32>
    %tanh3A = math.tanh %add3A_397 : vector<128x128xf32>
    %sub3A = arith.constant 1.000000e+00 : f32
    %sub3A_398 = vector.broadcast %sub3A : f32 to vector<128x128xf32>
    %sub3A_399 = arith.subf %sub3A_398, %logistic3A_395 : vector<128x128xf32>
    %mul3A_400 = arith.mulf %sub3A_399, %tanh3A : vector<128x128xf32>
    %get3A_401 = arith.constant 0 : index
    %get3A_402 = arith.constant 0 : index
    %get3A_403 = vector.load %arg4[%get3A_401, %get3A_402] : memref<128x128xf32, #tpu.memory_space<vmem>>, vector<128x128xf32>
    %mul3A_404 = arith.mulf %logistic3A_395, %get3A_403 : vector<128x128xf32>
    %add3A_405 = arith.addf %mul3A_400, %mul3A_404 : vector<128x128xf32>
    %get3A_406 = arith.constant 0 : index
    %get3A_407 = arith.constant 0 : index
    %get3A_408 = vector.load %arg0[%get3A_406, %get3A_407] : memref<10240x128xf32, #tpu.memory_space<vmem>>, vector<10240x128xf32>
    %dot_general3A_409 = arith.constant dense<0.000000e+00> : vector<10240x128xf32>
    %dot_general3A_410 = tpu.matmul %get3A_408, %add3A_405, %dot_general3A_409 {dimension_numbers = #tpu.dot_dimension_numbers<[1], [0], [0], [1], [0, 0, 1, 1], [], []>, transpose_lhs_hint = false} : vector<10240x128xf32>, vector<128x128xf32>, vector<10240x128xf32> -> vector<10240x128xf32>
    %get3A_411 = arith.constant 0 : index
    %get3A_412 = arith.constant 0 : index
    %get3A_413 = arith.constant 0 : index
    %get3A_414 = vector.load %arg9[%get3A_411, %get3A_412, %get3A_413] : memref<2x10240x1xf32, #tpu.memory_space<vmem>>, vector<1x10240x1xf32>
    %get3A_415 = vector.shape_cast %get3A_414 : vector<1x10240x1xf32> to vector<10240x1xf32>
    %get3A_416 = arith.constant 1 : index
    %get3A_417 = arith.constant 0 : index
    %get3A_418 = arith.constant 0 : index
    %get3A_419 = vector.load %arg9[%get3A_416, %get3A_417, %get3A_418] : memref<2x10240x1xf32, #tpu.memory_space<vmem>>, vector<1x10240x1xf32>
    %get3A_420 = vector.shape_cast %get3A_419 : vector<1x10240x1xf32> to vector<10240x1xf32>
    %add3A_421 = arith.addf %get3A_415, %get3A_420 : vector<10240x1xf32>
    %add3A_422 = arith.constant 1.000000e+00 : f32
    %add3A_423 = vector.broadcast %add3A_422 : f32 to vector<10240x1xf32>
    %add3A_424 = arith.addf %add3A_421, %add3A_423 : vector<10240x1xf32>
    %rsqrt3A = math.rsqrt %add3A_424 : vector<10240x1xf32>
    %mul3A_425 = vector.broadcast %rsqrt3A : vector<10240x1xf32> to vector<10240x128xf32>
    %mul3A_426 = arith.mulf %dot_general3A_410, %mul3A_425 : vector<10240x128xf32>
    %swap3A_427 = arith.constant 0 : index
    %swap3A_428 = arith.constant 0 : index
    %swap3A_429 = vector.load %arg10[%swap3A_427, %swap3A_428] : memref<10240x128xf32, #tpu.memory_space<vmem>>, vector<10240x128xf32>
    tpu.vector_store %arg10[%swap3A_427, %swap3A_428], %mul3A_426 {strides = array<i32>} : memref<10240x128xf32, #tpu.memory_space<vmem>>, vector<10240x128xf32>,
    %swap3A_430 = arith.constant 0 : index
    %swap3A_431 = arith.constant 0 : index
    %swap3A_432 = vector.load %arg11[%swap3A_430, %swap3A_431] : memref<10240x1xf32, #tpu.memory_space<vmem>>, vector<10240x1xf32>
    tpu.vector_store %arg11[%swap3A_430, %swap3A_431], %rsqrt3A {strides = array<i32>} : memref<10240x1xf32, #tpu.memory_space<vmem>>, vector<10240x1xf32>,
    return
  }
}

module attributes {stable_mosaic.version = 14 : i64} {
  func.func @_head_body(%arg0: memref<2x10240x128xf32, #tpu.memory_space<vmem>>, %arg1: memref<10240x128xf32, #tpu.memory_space<vmem>>, %arg2: memref<10240x1xf32, #tpu.memory_space<vmem>>, %arg3: memref<1x128xf32, #tpu.memory_space<vmem>>, %arg4: memref<1x1xf32, #tpu.memory_space<vmem>>, %arg5: memref<10240x1xf32, #tpu.memory_space<vmem>>) attributes {dimension_semantics = [], scalar_prefetch = 0 : i64, scratch_operands = 0 : i64, tpu.core_type = #tpu.core_type<tc>} {
    %get3A = arith.constant 0 : index
    %get3A_0 = arith.constant 0 : index
    %get3A_1 = arith.constant 0 : index
    %get3A_2 = vector.load %arg0[%get3A, %get3A_0, %get3A_1] : memref<2x10240x128xf32, #tpu.memory_space<vmem>>, vector<1x10240x128xf32>
    %get3A_3 = vector.shape_cast %get3A_2 : vector<1x10240x128xf32> to vector<10240x128xf32>
    %get3A_4 = arith.constant 1 : index
    %get3A_5 = arith.constant 0 : index
    %get3A_6 = arith.constant 0 : index
    %get3A_7 = vector.load %arg0[%get3A_4, %get3A_5, %get3A_6] : memref<2x10240x128xf32, #tpu.memory_space<vmem>>, vector<1x10240x128xf32>
    %get3A_8 = vector.shape_cast %get3A_7 : vector<1x10240x128xf32> to vector<10240x128xf32>
    %add3A = arith.addf %get3A_3, %get3A_8 : vector<10240x128xf32>
    %get3A_9 = arith.constant 0 : index
    %get3A_10 = arith.constant 0 : index
    %get3A_11 = vector.load %arg1[%get3A_9, %get3A_10] : memref<10240x128xf32, #tpu.memory_space<vmem>>, vector<10240x128xf32>
    %add3A_12 = arith.addf %add3A, %get3A_11 : vector<10240x128xf32>
    %get3A_13 = arith.constant 0 : index
    %get3A_14 = arith.constant 0 : index
    %get3A_15 = vector.load %arg2[%get3A_13, %get3A_14] : memref<10240x1xf32, #tpu.memory_space<vmem>>, vector<10240x1xf32>
    %mul3A = vector.broadcast %get3A_15 : vector<10240x1xf32> to vector<10240x128xf32>
    %mul3A_16 = arith.mulf %add3A_12, %mul3A : vector<10240x128xf32>
    %max3A = arith.constant 0.000000e+00 : f32
    %max3A_17 = vector.broadcast %max3A : f32 to vector<10240x128xf32>
    %max3A_18 = arith.maximumf %mul3A_16, %max3A_17 : vector<10240x128xf32>
    %get3A_19 = arith.constant 0 : index
    %get3A_20 = arith.constant 0 : index
    %get3A_21 = vector.load %arg3[%get3A_19, %get3A_20] : memref<1x128xf32, #tpu.memory_space<vmem>>, vector<1x128xf32>
    %mul3A_22 = vector.broadcast %get3A_21 : vector<1x128xf32> to vector<10240x128xf32>
    %mul3A_23 = arith.mulf %max3A_18, %mul3A_22 : vector<10240x128xf32>
    %reduce_sum3A = arith.constant dense<0.000000e+00> : vector<10240xf32>
    %reduce_sum3A_24 = vector.multi_reduction <add>, %mul3A_23, %reduce_sum3A [1] : vector<10240x128xf32> to vector<10240xf32>
    %broadcast_in_dim3A = vector.shape_cast %reduce_sum3A_24 : vector<10240xf32> to vector<10240x1xf32>
    %get3A_25 = arith.constant 0 : index
    %get3A_26 = arith.constant 0 : index
    %get3A_27 = vector.load %arg4[%get3A_25, %get3A_26] : memref<1x1xf32, #tpu.memory_space<vmem>>, vector<1x1xf32>
    %get3A_28 = vector.extract %get3A_27[0, 0] : f32 from vector<1x1xf32>
    %add3A_29 = vector.broadcast %get3A_28 : f32 to vector<10240x1xf32>
    %add3A_30 = arith.addf %broadcast_in_dim3A, %add3A_29 : vector<10240x1xf32>
    %swap3A = arith.constant 0 : index
    %swap3A_31 = arith.constant 0 : index
    %swap3A_32 = vector.load %arg5[%swap3A, %swap3A_31] : memref<10240x1xf32, #tpu.memory_space<vmem>>, vector<10240x1xf32>
    tpu.vector_store %arg5[%swap3A, %swap3A_31], %add3A_30 {strides = array<i32>} : memref<10240x1xf32, #tpu.memory_space<vmem>>, vector<10240x1xf32>,
    return
  }
}

</mosaic_0001>

<sc_bundles>
// kernel: kernel.6.cloned.1.call-start
scs
__scs_entry_jumppad:
0x0: {  	(pc) =	sbr.rel $0x88, $3  }
0x1: {  	(tag) =	ssettag $0x0;
	lr =	simm.s32 $0x1  }
0x2: {  	[smem:$0x3F97] =	sst lr;
	_ =	strace $0xD0000000  }
0x3: {  	_ = 	snop  }
0x4: {  	_ = 	snop  }
0x5: {  	_ = 	snop  }
0x6: {  	_ = 	snop  }
0x7: {  	_ = 	snop  }
__scs_overlays_trampoline_lowered:
0x8: {  	[smem:$0x3FA6] =	sst s0  }
0x9: {  	[smem:$0x3FA7] =	sst s1  }
0xa: {  	[smem:$0x3FA8] =	sst s2  }
0xb: {  	[smem:$0x3FA9] =	sst s3  }
0xc: {  	[smem:$0x3FAA] =	sst s4  }
0xd: {  	[smem:$0x3FAB] =	sst s5  }
0xe: {  	[smem:$0x3FAC] =	sst s6  }
0xf: {  	[smem:$0x3FAD] =	sst s7  }
0x10: {  	[smem:$0x3FAE] =	sst s8  }
0x11: {  	[smem:$0x3FAF] =	sst s9;
	s0 =	simm.s32 @!p0 $0x0  }
0x12: {  	s1 =	sld [smem:$0x3F95];
	s0 =	simm.s32 @p0 $0x1  }
0x13: {  	[smem:$0x3FB0] =	sst s0;
	s0 =	simm.s32 @!p1 $0x0  }
0x14: {  	s2 =	sld [smem:$0x3F94];
	s0 =	simm.s32 @p1 $0x1  }
0x15: {  	[smem:$0x3FB1] =	sst s0;
	s0 =	simm.s32 @!p2 $0x0  }
0x16: {  	s3 =	sld [smem:$0x3FDB];
	s0 =	simm.s32 @p2 $0x1  }
0x17: {  	s4 =	simm.s32 $0x1BF5;
	[smem:$0x3FB3] =	sst s0  }
0x18: {  	s0 =	sld [smem:$0x3F96];
	_ =	swait.ge [sflag:s4], $0x0  }
0x19: {  	s7 =	sld [smem:$0x3F97]  }
0x1a: {  	s8 =	sadd.s32 $0xFFFFE003, lr  }
0x1b: {  	s9 =	sadd.s32 $0xFFFFFEF7, lr;
	s5 =	simm.s32 $0xFFFFFFFF;
	p2 =	slt.u32 s8, $0xFFFFF086  }
0x1c: {  	p1 =	slt.u32 s9, $0xF7A;
	s5 =	simm.s32 @!p2 $0x0  }
0x1d: {  	s5 =	simm.s32 @p1 $0x1;
	p0 =	seq.s32 s7, s2  }
0x1e: {  	s7 =	smul.u32 @!p0 $0xF7A, s2;
	p2 =	seq.s32 @!p0 s5, $0x0  }
0x1f: {  	s9 =	smul.u32 $0xF7A, s1;
	s8 =	simm.s32 @!p0 $0x1BF5;
	p2 =	por !p2, p0  }
0x20: {  	[sflag:s8] =	ssyncset.s32 @!p0 $0xFFFFF086;
	s6 =	sadd.s32 @!p0 s3, s7;
	s7 =	simm.s32 @!p0 $0x108  }
0x21: {  	s3 =	sadd.s32 s3, s9;
	s6 =	sadd.s32 @!p0 $0x88, s6;
	s7 =	simm.s32 @p2 $0x1082  }
0x22: {  	[simem:s7], [sflag:s8] =	dma.local @!p0 [hbm:s6], $0xF7A  }
0x23: {  	s9 =	sor.u32 $0xD0000000, s2;
	s6 =	simm.s32 $0x108;
	_ =	swait.ge @!p0 [sflag:s8], $0x0  }
0x24: {  	s3 =	sadd.s32 $0x88, s3;
	s6 =	simm.s32 @!p1 $0x1082;
	[sflag:s4] =	ssyncset.s32 $0xFFFFF086  }
0x25: {  	[simem:s6], [sflag:s4] =	dma.local [hbm:s3], $0xF7A  }
0x26: {  	[smem:$0x3F97] =	sst s1;
	(tag) =	ssettag s2;
	_ =	strace s9  }
0x27: {  	s1 =	sld [smem:$0x3FA7]  }
0x28: {  	s2 =	sld [smem:$0x3FA8]  }
0x29: {  	s4 =	sld [smem:$0x3FAA]  }
0x2a: {  	p0 =	seq.s32 s5, $0x0;
	s5 =	sld [smem:$0x3FAB]  }
0x2b: {  	s6 =	sld [smem:$0x3FAC]  }
0x2c: {  	s7 =	sld [smem:$0x3FAD]  }
0x2d: {  	s3 =	simm.s32 $0x108;
	s8 =	sld [smem:$0x3FAE]  }
0x2e: {  	s3 =	simm.s32 @!p0 $0x1082;
	s9 =	sld [smem:$0x3FAF]  }
0x2f: {  	lr =	sadd.s32 s0, s3;
	s0 =	sld [smem:$0x3FA6]  }
0x30: {  	s3 =	sld [smem:$0x3FA9]  }
0x31: {  	[smem:$0x3FB2] =	sst s10  }
0x32: {  	s10 =	sld [smem:$0x3FB0];
	_ =	sdelay $0x3  }
0x33: {  	p0 =	seq.s32 s10, $0x1;
	s10 =	sld [smem:$0x3FB2];
	_ =	sdelay $0x3  }
0x34: {  	[smem:$0x3FB2] =	sst s10  }
0x35: {  	s10 =	sld [smem:$0x3FB1];
	_ =	sdelay $0x3  }
0x36: {  	p1 =	seq.s32 s10, $0x1;
	s10 =	sld [smem:$0x3FB2];
	_ =	sdelay $0x3  }
0x37: {  	[smem:$0x3FB2] =	sst s10  }
0x38: {  	s10 =	sld [smem:$0x3FB3]  }
0x39: {  	_ = 	snop;
	(pc) =	sbr.ind lr, $3  }
0x3a: {  	_ = 	snop  }
0x3b: {  	_ = 	snop  }
0x3c: {  	p2 =	seq.s32 s10, $0x1;
	s10 =	sld [smem:$0x3FB2]  }
0x3d: {  	_ =	shalt  }
0x3e: {  	_ =	shalt  }
0x3f: {  	_ =	shalt  }
0x40: {  	_ =	shalt  }
0x41: {  	_ =	shalt  }
0x42: {  	_ =	shalt  }
0x43: {  	_ =	shalt  }
0x44: {  	_ =	shalt  }
0x45: {  	_ =	shalt  }
0x46: {  	_ =	shalt  }
0x47: {  	_ =	shalt  }
0x48: {  	_ =	shalt  }
0x49: {  	_ =	shalt  }
0x4a: {  	_ =	shalt  }
0x4b: {  	_ =	shalt  }
0x4c: {  	_ =	shalt  }
0x4d: {  	_ =	shalt  }
0x4e: {  	_ =	shalt  }
0x4f: {  	_ =	shalt  }
0x50: {  	_ =	shalt  }
0x51: {  	_ =	shalt  }
0x52: {  	_ =	shalt  }
0x53: {  	_ =	shalt  }
0x54: {  	_ =	shalt  }
0x55: {  	_ =	shalt  }
0x56: {  	_ =	shalt  }
0x57: {  	_ =	shalt  }
0x58: {  	_ =	shalt  }
0x59: {  	_ =	shalt  }
0x5a: {  	_ =	shalt  }
0x5b: {  	_ =	shalt  }
0x5c: {  	_ =	shalt  }
0x5d: {  	_ =	shalt  }
0x5e: {  	_ =	shalt  }
0x5f: {  	_ =	shalt  }
0x60: {  	_ =	shalt  }
0x61: {  	_ =	shalt  }
0x62: {  	_ =	shalt  }
0x63: {  	_ =	shalt  }
0x64: {  	_ =	shalt  }
0x65: {  	_ =	shalt  }
0x66: {  	_ =	shalt  }
0x67: {  	_ =	shalt  }
0x68: {  	_ =	shalt  }
0x69: {  	_ =	shalt  }
0x6a: {  	_ =	shalt  }
0x6b: {  	_ =	shalt  }
0x6c: {  	_ =	shalt  }
0x6d: {  	_ =	shalt  }
0x6e: {  	_ =	shalt  }
0x6f: {  	_ =	shalt  }
0x70: {  	_ =	shalt  }
0x71: {  	_ =	shalt  }
0x72: {  	_ =	shalt  }
0x73: {  	_ =	shalt  }
0x74: {  	_ =	shalt  }
0x75: {  	_ =	shalt  }
0x76: {  	_ =	shalt  }
0x77: {  	_ =	shalt  }
0x78: {  	_ =	shalt  }
0x79: {  	_ =	shalt  }
0x7a: {  	_ =	shalt  }
0x7b: {  	_ =	shalt  }
0x7c: {  	_ =	shalt  }
0x7d: {  	_ =	shalt  }
0x7e: {  	_ =	shalt  }
0x7f: {  	_ =	shalt  }
0x80: {  	_ =	shalt  }
0x81: {  	_ =	shalt  }
0x82: {  	_ =	shalt  }
0x83: {  	_ =	shalt  }
0x84: {  	_ =	shalt  }
0x85: {  	_ =	shalt  }
0x86: {  	_ =	shalt  }
0x87: {  	_ =	shalt  }
.Lfunc_end0:
.L_simem_size_0:
called_computation_lowered:
.L_overlay_start_0:
0x88: {  	s2 =	sld [smem:$0x3FD9]  }
0x89: {  	s3 =	sld [smem:$0x3FFE];
	_ =	sdelay $0x1  }
0x8a: {  	s1 =	srdreg.scid  }
0x8b: {  	s0 =	sand.u32 $0x1, s1  }
0x8c: {  	s16 =	sshll.u32 s0, $0xA;
	s2 =	sadd.s32 s3, s2  }
0x8d: {  	s2 =	sadd.s32 s2, s16  }
0x8e: {  	[smem:$0x3FBE] =	sst s2  }
0x8f: {  	_ = 	snop  }
0x90: {  	(tm) =	ssettm $0x1  }
0x91: {  	s17 =	sld [smem:$0x3FFB];
	_ =	sdelay $0x3  }
0x92: {  	_ =	strace s17  }
0x93: {  	s2 =	sld [smem:$0x3FFC];
	_ =	sdelay $0x3  }
0x94: {  	_ =	strace s2  }
0x95: {  	s2 =	sld [smem:$0x3FFD];
	_ =	sdelay $0x3  }
0x96: {  	_ =	strace s2  }
0x97: {  	_ =	strace $0x8FFFFFFF  }
0x98: {  	s18 =	sld [smem:$0x3FDB];
	_ =	sdelay $0x1  }
0x99: {  	s19 =	simm.s32 $_scs_section_size  }
0x9a: {  	s4 =	simm.s32 $_size__tile_overlayer_lowered;
	s5 =	simm.s32 $_tile_overlayer_lowered  }
0x9b: {  	s22 =	simm.s32 $0x1BFF;
	s21 =	sshll.u32 s5, $0x1;
	s2 =	sadd.s32 s19, s18  }
0x9c: {  	s6 =	simm.s32 $0x0;
	s20 =	sshll.u32 s4, $0x1;
	s4 =	sadd.s32 s21, s2  }
0x9d: {  	[timem:s6], [sflag:s22] =	dma.local [hbm:s4], s20  }
0x9e: {  	_ =	swait.ge [sflag:s22], s20  }
0x9f: {  	s3 =	ssub.s32 $0x0, s20;
	[sflag:s22] =	ssyncset.done $0x0  }
0xa0: {  	[sflag:s22] =	ssyncadd.s32 s3;
	_ =	sdelay $0x1  }
0xa1: {  	s23 =	simm.s32 $0x1B8B  }
0xa2: {  	_ =	swait.ge [sflag:s23], $0x1  }
0xa3: {  	[sflag:s23] =	ssyncset.done $0x0  }
0xa4: {  	s25 =	simm.s32 $0x1B8E;
	s24 =	sld [smem:$0x3FFE];
	[sflag:s23] =	ssyncadd.s32 $0xFFFFFFFF  }
0xa5: {  	s26 =	simm.s32 $execute0_lowered;
	[smem:$0x3FD2] =	sst s25  }
0xa6: {  	s4 =	sshll.u32 s26, $0x1;
	_ =	strace $0x80000046;
	[dreg:$0x1] =	wrdreg $0xFFFFFFFF  }
0xa7: {  	s28 =	simm.s32 $_size_execute0_lowered;
	s2 =	sadd.s32 s2, s4;
	[dreg:$0x0] =	wrdreg $0x0  }
0xa8: {  	s4 =	sshll.u32 s28, $0x1;
	[dreg:$0x2] =	wrdreg s2  }
0xa9: {  	[dreg:$0x3] =	wrdreg s4  }
0xaa: {  	[dreg:$0x4] =	wrdreg $0xC0  }
0xab: {  	_ =	task [dreg:s6], $0x5FFFF  }
0xac: {  	[dreg:$0x1] =	wrdreg $0xFFFFFFFF  }
0xad: {  	[dreg:$0x0] =	wrdreg $0x60  }
0xae: {  	[dreg:$0x2] =	wrdreg s24  }
0xaf: {  	[dreg:$0x3] =	wrdreg $0x2B000  }
0xb0: {  	[dreg:$0x4] =	wrdreg $0x9  }
0xb1: {  	_ =	task.clear_ibuf [dreg:s6], $0x5FFFF;
	_ =	strace $0x90000046  }
0xb2: {  	s29 =	simm.s32 $0x9;
	_ =	strace $0x80000048  }
0xb3: {  	_ =	swait.ge [sflag:s29], $0x1  }
0xb4: {  	[sflag:s29] =	ssyncadd.s32 $0xFFFFFFFF  }
0xb5: {  	_ =	strace $0x90000048  }
0xb6: {  	_ =	sfence  }
0xb7: {  	s30 =	sld [smem:$0x0];
	_ =	sdelay $0x2  }
0xb8: {  	s31 =	sshll.u32 s1, $0xD;
	s1 =	sshrl.u32 s1, $0x2  }
0xb9: {  	s3 =	sand.u32 $0x4000, s31;
	s1 =	sadd.s32 s1, s30  }
0xba: {  	s0 =	sor.u32 s3, s0;
	s1 =	sshll.u32 s1, $0x11  }
0xbb: {  	s0 =	sor.u32 s1, s0  }
0xbc: {  	s0 =	sadd.s32 $0x8F2B, s0  }
0xbd: {  	[sflag:s0] =	ssyncadd.remote.s32 $0x1  }
0xbe: {  	_ =	sfence.sel $0xFFFF  }
0xbf: {  	[dreg:$0x0] =	wrdreg $0xFFFFFFFF;
	(pc) =	sbr.abs _section_cstart, $3  }
0xc0: {  	[dreg:$0x1] =	wrdreg $0xFFFFFFFF  }
0xc1: {  	_ =	task.clear_ibuf [dreg:s6], $0x2FFFF;
	_ =	strace $0x9FFFFFFF  }
0xc2: {  	(tm) =	ssettm $0x7FFFFFFF  }
0xc3: {  	_ =	shalt  }
tec
execute0_lowered:
.L_overlay_start_1:
0x0: {  	(tag) =	ssettag $0x1  }
0x1: {  	s1 =	srdreg.scid  }
0x2: {  	s0 =	stileid.u32;
	s4 =	rddreg [dreg:$0x0]  }
0x3: {  	s2 =	rddreg [dreg:$0x1];
	s3 =	simm.s32 $0x0;
	s10 =	simm.s32 $0x80  }
0x4: {  	s11 =	simm.s32 $0x2800;
	s12 =	simm.s32 $0x100;
	s13 =	simm.s32 $0x0  }
0x5: {  	s5 =	sand.u32 $0x1, s1;
	s1 =	rddreg [dreg:$0x2];
	s7 =	smul.u32 $0x500, s0  }
0x6: {  	s30 =	sshll.u32 s0, $0x1;
	[smem:$0x7FF] =	sst s3;
	s9 =	smul.u32 $0xA00, s0  }
0x7: {  	s6 =	sor.u32 s5, s30;
	_ =	strace $0x80000047;
	s8 =	sshll.u32 s5, $0x7  }
0x8: {  	s5 =	ssub.s32 $0x2, s5;
	s6 =	smul.u32 $0x500, s6;
	s7 =	sor.u32 s8, s7  }
0x9: {  	s31 =	sshrl.u32 s5, $0x1;
	s9 =	sshrl.u32 s9, $0x2;
	s7 =	sshrl.u32 s7, $0x3  }
0xa: {  	s8 =	ssub.s32 s5, s31;
	s6 =	sadd.s32 s6, s4;
	s7 =	sadd.s32 s7, s4  }
0xb: {  	s4 =	sadd.s32 s9, s2;
	s9 =	simm.s32 $0x1;
	s5 =	sadd.s32 $0x1C00, s6  }
0xc: {  	v0 =	vimm.f32 $1.000000000e+00;
	v1 =	vimm.f32 $0.0e+00;
	s6 =	sadd.s32 $0xBC00, s7;
	s7 =	smax.u32 s8, $0x1;
	s8 =	simm.s32 $0x2880  }
.LBB2_1:
0xd: {  	[tilespmem:$0x2800] =	vst v0  }
0xe: {  	[tilespmem:$0x2810] =	vst v0  }
0xf: {  	[tilespmem:$0x2820] =	vst v0  }
0x10: {  	[tilespmem:$0x2830] =	vst v0  }
0x11: {  	[tilespmem:$0x2840] =	vst v0  }
0x12: {  	[tilespmem:$0x2850] =	vst v0  }
0x13: {  	[tilespmem:$0x2860] =	vst v0  }
0x14: {  	[tilespmem:$0x2870] =	vst v0  }
0x15: {  	[tilespmem:$0x2880] =	vst v1  }
0x16: {  	[tilespmem:$0x2890] =	vst v1  }
0x17: {  	[tilespmem:$0x28A0] =	vst v1  }
0x18: {  	[tilespmem:$0x28B0] =	vst v1  }
0x19: {  	[tilespmem:$0x28C0] =	vst v1  }
0x1a: {  	[tilespmem:$0x28D0] =	vst v1  }
0x1b: {  	[tilespmem:$0x28E0] =	vst v1  }
0x1c: {  	[tilespmem:$0x28F0] =	vst v1  }
0x1d: {  	[tilespmem:$0x2900] =	vst v1  }
0x1e: {  	[tilespmem:$0x2910] =	vst v1  }
0x1f: {  	[tilespmem:$0x2920] =	vst v1  }
0x20: {  	[tilespmem:$0x2930] =	vst v1  }
0x21: {  	[tilespmem:$0x2940] =	vst v1  }
0x22: {  	[tilespmem:$0x2950] =	vst v1  }
0x23: {  	[tilespmem:$0x2960] =	vst v1  }
0x24: {  	[tilespmem:$0x2970] =	vst v1  }
0x25: {  	[tilespmem:$0x2980] =	vst v1  }
0x26: {  	[tilespmem:$0x2990] =	vst v1  }
0x27: {  	[tilespmem:$0x29A0] =	vst v1  }
0x28: {  	[tilespmem:$0x29B0] =	vst v1  }
0x29: {  	[tilespmem:$0x29C0] =	vst v1  }
0x2a: {  	[tilespmem:$0x29D0] =	vst v1  }
0x2b: {  	[tilespmem:$0x29E0] =	vst v1  }
0x2c: {  	[tilespmem:$0x29F0] =	vst v1  }
0x2d: {  	[tilespmem:$0x2A00] =	vst v1  }
0x2e: {  	[tilespmem:$0x2A10] =	vst v1  }
0x2f: {  	[tilespmem:$0x2A20] =	vst v1  }
0x30: {  	[tilespmem:$0x2A30] =	vst v1  }
0x31: {  	[tilespmem:$0x2A40] =	vst v1  }
0x32: {  	[tilespmem:$0x2A50] =	vst v1  }
0x33: {  	[tilespmem:$0x2A60] =	vst v1  }
0x34: {  	[tilespmem:$0x2A70] =	vst v1  }
0x35: {  	[tilespmem:$0x2A80] =	vst v1  }
0x36: {  	[tilespmem:$0x2A90] =	vst v1  }
0x37: {  	[tilespmem:$0x2AA0] =	vst v1  }
0x38: {  	[tilespmem:$0x2AB0] =	vst v1  }
0x39: {  	[tilespmem:$0x2AC0] =	vst v1  }
0x3a: {  	[tilespmem:$0x2AD0] =	vst v1  }
0x3b: {  	[tilespmem:$0x2AE0] =	vst v1  }
0x3c: {  	[tilespmem:$0x2AF0] =	vst v1  }
0x3d: {  	[spmem:s4] =	stream.linear.scatter [tilespmem:s8], [sflag:$0x1], $0x280, $0x38;
	[tilespmem:$0x2D80] =	vst v63  }
0x3e: {  	_ =	swait.ge [sflag:s9], $0x280  }
0x3f: {  	[sflag:s9] =	ssyncset.done $0x0  }
0x40: {  	[sflag:s9] =	ssyncadd.s32 $0xFFFFFD80  }
0x41: {  	[bflag:$0x0] =	sbarrier.arrive $0xFFFF  }
0x42: {  	[tilespmem:s3], [sflag:$0x1] =	stream.linear.gather [hbm4b:s5+s3], $0x2800, $0x38;
	[tilespmem:$0x2D80] =	vst v63  }
0x43: {  	_ =	swait.ge [sflag:s9], $0x2800  }
0x44: {  	[sflag:s9] =	ssyncset.done $0x0  }
0x45: {  	s14 =	simm.s32 $0x0;
	[sflag:s9] =	ssyncadd.s32 $0xFFFFD800  }
0x46: {  	[spmem:s2] =	stream.indirect.scatter.add.f32 [tilespmem:s11], [sflag:$0x1], $0x1, s14, s10, $0xb8;
	[tilespmem:$0x2D80] =	vst v63  }
0x47: {  	_ =	swait.ge [sflag:s9], $0x80  }
0x48: {  	s14 =	simm.s32 $0x200;
	[sflag:s9] =	ssyncset.done $0x0  }
.LBB2_2:
0x49: {  	s15 =	sshra.s32 s14, $0x2;
	[sflag:s9] =	ssyncadd.s32 $0xFFFFFF80;
	p0 =	sne.s32 s14, $0x9E00  }
0x4a: {  	[spmem:s2] =	stream.indirect.scatter.add.f32 [tilespmem:s11], [sflag:$0x1], $0x1, s15, s10, $0xb8;
	[tilespmem:$0x2D80] =	vst v63  }
.Ltmp0:
0x4b: {  	_ = 	snop;
	(pc) =	sbr.rel @p0 .LBB2_2-.Ltmp0, $4  }
0x4c: {  	_ = 	snop  }
0x4d: {  	s14 =	sadd.s32 $0x200, s14  }
0x4e: {  	_ =	swait.ge [sflag:s9], $0x80  }
0x4f: {  	[sflag:s9] =	ssyncset.done $0x0  }
0x50: {  	[sflag:s9] =	ssyncadd.s32 $0xFFFFFF80  }
0x51: {  	[bflag:$0x0] =	sbarrier.arrive $0xFFFF  }
0x52: {  	[tilespmem:s8], [sflag:$0x1] =	stream.linear.gather [spmem:s4], $0x280, $0x38;
	[tilespmem:$0x2D80] =	vst v63  }
0x53: {  	s13 =	sadd.s32 $0x1, s13;
	_ =	swait.ge [sflag:s9], $0x280  }
0x54: {  	p0 =	sne.s32 s13, s7;
	[sflag:s9] =	ssyncset.done $0x0  }
.Ltmp1:
0x55: {  	[sflag:s9] =	ssyncadd.s32 $0xFFFFFD80;
	(pc) =	sbr.rel @p0 .LBB2_1-.Ltmp1, $4  }
0x56: {  	[hbm4b:s6+s10] =	stream.strided.scatter [tilespmem:s8], [sflag:$0x1], $0x280, s12, s10, $0x38;
	[tilespmem:$0x2D80] =	vst v63  }
0x57: {  	_ =	swait.ge [sflag:s9], $0x280  }
0x58: {  	[sflag:s9] =	ssyncset.done $0x0  }
0x59: {  	[sflag:s9] =	ssyncadd.s32 $0xFFFFFD80  }
0x5a: {  	_ =	sfence.sel $0x180000  }
0x5b: {  	[bflag:$0x0] =	sbarrier.arrive $0xFFFF  }
0x5c: {  	p0 =	sne.s32 s0, $0x0;
	_ =	strace $0x90000047  }
0x5d: {  	s0 =	sadd.s32 @!p0 $0x100000, s1;
	[bflag:$0x2] =	sbarrier.arrive $0xFFFF  }
0x5e: {  	[sflag:s0] =	ssyncadd.tile.s32 @!p0 $0x1;
	_ =	shalt  }
.Lfunc_end2:
_tile_overlayer_lowered:
.L_overlay_start_2:
0x5f: {  	(tag) =	ssettag $0x2  }
0x60: {  	s0 =	rddreg [dreg:$0x0];
	s2 =	stileid.u32  }
0x61: {  	s1 =	rddreg [dreg:$0x1];
	p0 =	sne.s32 s2, $0x0  }
0x62: {  	s3 =	rddreg [dreg:$0x2];
	[bflag:$0x3] =	sbarrier.arrive $0xFFFF;
	s2 =	simm.s32 @!p0 $0x1C01  }
0x63: {  	[timem:s3], [sflag:s2] =	dma.local @!p0 [hbm:s0], s1  }
0x64: {  	s0 =	simm.s32 @!p0 $0x1  }
0x65: {  	_ =	swait.ge @!p0 [sflag:s0], s1  }
0x66: {  	s1 =	ssub.s32 @!p0 $0x0, s1;
	[sflag:s0] =	ssyncset.done @!p0 $0x0  }
0x67: {  	[sflag:s0] =	ssyncadd.s32 @!p0 s1  }
0x68: {  	[bflag:$0x3] =	sbarrier.arrive $0xFFFF  }
0x69: {  	_ =	shalt  }

// kernel: kernel.9.cloned.1.call-start
scs
__scs_entry_jumppad:
0x0: {  	(pc) =	sbr.rel $0x88, $3  }
0x1: {  	(tag) =	ssettag $0x0;
	lr =	simm.s32 $0x1  }
0x2: {  	[smem:$0x3F97] =	sst lr;
	_ =	strace $0xD0000000  }
0x3: {  	_ = 	snop  }
0x4: {  	_ = 	snop  }
0x5: {  	_ = 	snop  }
0x6: {  	_ = 	snop  }
0x7: {  	_ = 	snop  }
__scs_overlays_trampoline_lowered:
0x8: {  	[smem:$0x3FA6] =	sst s0  }
0x9: {  	[smem:$0x3FA7] =	sst s1  }
0xa: {  	[smem:$0x3FA8] =	sst s2  }
0xb: {  	[smem:$0x3FA9] =	sst s3  }
0xc: {  	[smem:$0x3FAA] =	sst s4  }
0xd: {  	[smem:$0x3FAB] =	sst s5  }
0xe: {  	[smem:$0x3FAC] =	sst s6  }
0xf: {  	[smem:$0x3FAD] =	sst s7  }
0x10: {  	[smem:$0x3FAE] =	sst s8  }
0x11: {  	[smem:$0x3FAF] =	sst s9;
	s0 =	simm.s32 @!p0 $0x0  }
0x12: {  	s1 =	sld [smem:$0x3F95];
	s0 =	simm.s32 @p0 $0x1  }
0x13: {  	[smem:$0x3FB0] =	sst s0;
	s0 =	simm.s32 @!p1 $0x0  }
0x14: {  	s2 =	sld [smem:$0x3F94];
	s0 =	simm.s32 @p1 $0x1  }
0x15: {  	[smem:$0x3FB1] =	sst s0;
	s0 =	simm.s32 @!p2 $0x0  }
0x16: {  	s3 =	sld [smem:$0x3FDB];
	s0 =	simm.s32 @p2 $0x1  }
0x17: {  	s4 =	simm.s32 $0x1BF5;
	[smem:$0x3FB3] =	sst s0  }
0x18: {  	s0 =	sld [smem:$0x3F96];
	_ =	swait.ge [sflag:s4], $0x0  }
0x19: {  	s7 =	sld [smem:$0x3F97]  }
0x1a: {  	s8 =	sadd.s32 $0xFFFFE003, lr  }
0x1b: {  	s9 =	sadd.s32 $0xFFFFFEF7, lr;
	s5 =	simm.s32 $0xFFFFFFFF;
	p2 =	slt.u32 s8, $0xFFFFF086  }
0x1c: {  	p1 =	slt.u32 s9, $0xF7A;
	s5 =	simm.s32 @!p2 $0x0  }
0x1d: {  	s5 =	simm.s32 @p1 $0x1;
	p0 =	seq.s32 s7, s2  }
0x1e: {  	s7 =	smul.u32 @!p0 $0xF7A, s2;
	p2 =	seq.s32 @!p0 s5, $0x0  }
0x1f: {  	s9 =	smul.u32 $0xF7A, s1;
	s8 =	simm.s32 @!p0 $0x1BF5;
	p2 =	por !p2, p0  }
0x20: {  	[sflag:s8] =	ssyncset.s32 @!p0 $0xFFFFF086;
	s6 =	sadd.s32 @!p0 s3, s7;
	s7 =	simm.s32 @!p0 $0x108  }
0x21: {  	s3 =	sadd.s32 s3, s9;
	s6 =	sadd.s32 @!p0 $0x88, s6;
	s7 =	simm.s32 @p2 $0x1082  }
0x22: {  	[simem:s7], [sflag:s8] =	dma.local @!p0 [hbm:s6], $0xF7A  }
0x23: {  	s9 =	sor.u32 $0xD0000000, s2;
	s6 =	simm.s32 $0x108;
	_ =	swait.ge @!p0 [sflag:s8], $0x0  }
0x24: {  	s3 =	sadd.s32 $0x88, s3;
	s6 =	simm.s32 @!p1 $0x1082;
	[sflag:s4] =	ssyncset.s32 $0xFFFFF086  }
0x25: {  	[simem:s6], [sflag:s4] =	dma.local [hbm:s3], $0xF7A  }
0x26: {  	[smem:$0x3F97] =	sst s1;
	(tag) =	ssettag s2;
	_ =	strace s9  }
0x27: {  	s1 =	sld [smem:$0x3FA7]  }
0x28: {  	s2 =	sld [smem:$0x3FA8]  }
0x29: {  	s4 =	sld [smem:$0x3FAA]  }
0x2a: {  	p0 =	seq.s32 s5, $0x0;
	s5 =	sld [smem:$0x3FAB]  }
0x2b: {  	s6 =	sld [smem:$0x3FAC]  }
0x2c: {  	s7 =	sld [smem:$0x3FAD]  }
0x2d: {  	s3 =	simm.s32 $0x108;
	s8 =	sld [smem:$0x3FAE]  }
0x2e: {  	s3 =	simm.s32 @!p0 $0x1082;
	s9 =	sld [smem:$0x3FAF]  }
0x2f: {  	lr =	sadd.s32 s0, s3;
	s0 =	sld [smem:$0x3FA6]  }
0x30: {  	s3 =	sld [smem:$0x3FA9]  }
0x31: {  	[smem:$0x3FB2] =	sst s10  }
0x32: {  	s10 =	sld [smem:$0x3FB0];
	_ =	sdelay $0x3  }
0x33: {  	p0 =	seq.s32 s10, $0x1;
	s10 =	sld [smem:$0x3FB2];
	_ =	sdelay $0x3  }
0x34: {  	[smem:$0x3FB2] =	sst s10  }
0x35: {  	s10 =	sld [smem:$0x3FB1];
	_ =	sdelay $0x3  }
0x36: {  	p1 =	seq.s32 s10, $0x1;
	s10 =	sld [smem:$0x3FB2];
	_ =	sdelay $0x3  }
0x37: {  	[smem:$0x3FB2] =	sst s10  }
0x38: {  	s10 =	sld [smem:$0x3FB3]  }
0x39: {  	_ = 	snop;
	(pc) =	sbr.ind lr, $3  }
0x3a: {  	_ = 	snop  }
0x3b: {  	_ = 	snop  }
0x3c: {  	p2 =	seq.s32 s10, $0x1;
	s10 =	sld [smem:$0x3FB2]  }
0x3d: {  	_ =	shalt  }
0x3e: {  	_ =	shalt  }
0x3f: {  	_ =	shalt  }
0x40: {  	_ =	shalt  }
0x41: {  	_ =	shalt  }
0x42: {  	_ =	shalt  }
0x43: {  	_ =	shalt  }
0x44: {  	_ =	shalt  }
0x45: {  	_ =	shalt  }
0x46: {  	_ =	shalt  }
0x47: {  	_ =	shalt  }
0x48: {  	_ =	shalt  }
0x49: {  	_ =	shalt  }
0x4a: {  	_ =	shalt  }
0x4b: {  	_ =	shalt  }
0x4c: {  	_ =	shalt  }
0x4d: {  	_ =	shalt  }
0x4e: {  	_ =	shalt  }
0x4f: {  	_ =	shalt  }
0x50: {  	_ =	shalt  }
0x51: {  	_ =	shalt  }
0x52: {  	_ =	shalt  }
0x53: {  	_ =	shalt  }
0x54: {  	_ =	shalt  }
0x55: {  	_ =	shalt  }
0x56: {  	_ =	shalt  }
0x57: {  	_ =	shalt  }
0x58: {  	_ =	shalt  }
0x59: {  	_ =	shalt  }
0x5a: {  	_ =	shalt  }
0x5b: {  	_ =	shalt  }
0x5c: {  	_ =	shalt  }
0x5d: {  	_ =	shalt  }
0x5e: {  	_ =	shalt  }
0x5f: {  	_ =	shalt  }
0x60: {  	_ =	shalt  }
0x61: {  	_ =	shalt  }
0x62: {  	_ =	shalt  }
0x63: {  	_ =	shalt  }
0x64: {  	_ =	shalt  }
0x65: {  	_ =	shalt  }
0x66: {  	_ =	shalt  }
0x67: {  	_ =	shalt  }
0x68: {  	_ =	shalt  }
0x69: {  	_ =	shalt  }
0x6a: {  	_ =	shalt  }
0x6b: {  	_ =	shalt  }
0x6c: {  	_ =	shalt  }
0x6d: {  	_ =	shalt  }
0x6e: {  	_ =	shalt  }
0x6f: {  	_ =	shalt  }
0x70: {  	_ =	shalt  }
0x71: {  	_ =	shalt  }
0x72: {  	_ =	shalt  }
0x73: {  	_ =	shalt  }
0x74: {  	_ =	shalt  }
0x75: {  	_ =	shalt  }
0x76: {  	_ =	shalt  }
0x77: {  	_ =	shalt  }
0x78: {  	_ =	shalt  }
0x79: {  	_ =	shalt  }
0x7a: {  	_ =	shalt  }
0x7b: {  	_ =	shalt  }
0x7c: {  	_ =	shalt  }
0x7d: {  	_ =	shalt  }
0x7e: {  	_ =	shalt  }
0x7f: {  	_ =	shalt  }
0x80: {  	_ =	shalt  }
0x81: {  	_ =	shalt  }
0x82: {  	_ =	shalt  }
0x83: {  	_ =	shalt  }
0x84: {  	_ =	shalt  }
0x85: {  	_ =	shalt  }
0x86: {  	_ =	shalt  }
0x87: {  	_ =	shalt  }
.Lfunc_end0:
.L_simem_size_0:
called_computation.1_lowered:
.L_overlay_start_0:
0x88: {  	s2 =	sld [smem:$0x3FD9]  }
0x89: {  	s3 =	sld [smem:$0x3FFE];
	_ =	sdelay $0x1  }
0x8a: {  	s1 =	srdreg.scid  }
0x8b: {  	s0 =	sand.u32 $0x1, s1  }
0x8c: {  	s16 =	sshll.u32 s0, $0xA;
	s2 =	sadd.s32 s3, s2  }
0x8d: {  	s2 =	sadd.s32 s2, s16  }
0x8e: {  	[smem:$0x3FBE] =	sst s2  }
0x8f: {  	_ = 	snop  }
0x90: {  	(tm) =	ssettm $0x1  }
0x91: {  	s17 =	sld [smem:$0x3FFB];
	_ =	sdelay $0x3  }
0x92: {  	_ =	strace s17  }
0x93: {  	s2 =	sld [smem:$0x3FFC];
	_ =	sdelay $0x3  }
0x94: {  	_ =	strace s2  }
0x95: {  	s2 =	sld [smem:$0x3FFD];
	_ =	sdelay $0x3  }
0x96: {  	_ =	strace s2  }
0x97: {  	_ =	strace $0x8FFFFFFF  }
0x98: {  	s18 =	sld [smem:$0x3FDB];
	_ =	sdelay $0x1  }
0x99: {  	s19 =	simm.s32 $_scs_section_size  }
0x9a: {  	s4 =	simm.s32 $_size__tile_overlayer_lowered;
	s5 =	simm.s32 $_tile_overlayer_lowered  }
0x9b: {  	s22 =	simm.s32 $0x1BFF;
	s21 =	sshll.u32 s5, $0x1;
	s2 =	sadd.s32 s19, s18  }
0x9c: {  	s6 =	simm.s32 $0x0;
	s20 =	sshll.u32 s4, $0x1;
	s4 =	sadd.s32 s21, s2  }
0x9d: {  	[timem:s6], [sflag:s22] =	dma.local [hbm:s4], s20  }
0x9e: {  	_ =	swait.ge [sflag:s22], s20  }
0x9f: {  	s3 =	ssub.s32 $0x0, s20;
	[sflag:s22] =	ssyncset.done $0x0  }
0xa0: {  	[sflag:s22] =	ssyncadd.s32 s3;
	_ =	sdelay $0x1  }
0xa1: {  	s23 =	simm.s32 $0x1B8B  }
0xa2: {  	_ =	swait.ge [sflag:s23], $0x1  }
0xa3: {  	[sflag:s23] =	ssyncset.done $0x0  }
0xa4: {  	s25 =	simm.s32 $0x1B8E;
	s24 =	sld [smem:$0x3FFE];
	[sflag:s23] =	ssyncadd.s32 $0xFFFFFFFF  }
0xa5: {  	s26 =	simm.s32 $execute0_lowered;
	[smem:$0x3FD2] =	sst s25  }
0xa6: {  	s4 =	sshll.u32 s26, $0x1;
	_ =	strace $0x80000049;
	[dreg:$0x1] =	wrdreg $0xFFFFFFFF  }
0xa7: {  	s28 =	simm.s32 $_size_execute0_lowered;
	s2 =	sadd.s32 s2, s4;
	[dreg:$0x0] =	wrdreg $0x0  }
0xa8: {  	s4 =	sshll.u32 s28, $0x1;
	[dreg:$0x2] =	wrdreg s2  }
0xa9: {  	[dreg:$0x3] =	wrdreg s4  }
0xaa: {  	[dreg:$0x4] =	wrdreg $0xC0  }
0xab: {  	_ =	task [dreg:s6], $0x5FFFF  }
0xac: {  	[dreg:$0x1] =	wrdreg $0xFFFFFFFF  }
0xad: {  	[dreg:$0x0] =	wrdreg $0x60  }
0xae: {  	[dreg:$0x2] =	wrdreg s24  }
0xaf: {  	[dreg:$0x3] =	wrdreg $0x90000  }
0xb0: {  	[dreg:$0x4] =	wrdreg $0x9  }
0xb1: {  	_ =	task.clear_ibuf [dreg:s6], $0x5FFFF;
	_ =	strace $0x90000049  }
0xb2: {  	s29 =	simm.s32 $0x9;
	_ =	strace $0x8000004B  }
0xb3: {  	_ =	swait.ge [sflag:s29], $0x1  }
0xb4: {  	[sflag:s29] =	ssyncadd.s32 $0xFFFFFFFF  }
0xb5: {  	_ =	strace $0x9000004B  }
0xb6: {  	_ =	sfence  }
0xb7: {  	s30 =	sld [smem:$0x0];
	_ =	sdelay $0x2  }
0xb8: {  	s31 =	sshll.u32 s1, $0xD;
	s1 =	sshrl.u32 s1, $0x2  }
0xb9: {  	s3 =	sand.u32 $0x4000, s31;
	s1 =	sadd.s32 s1, s30  }
0xba: {  	s0 =	sor.u32 s3, s0;
	s1 =	sshll.u32 s1, $0x11  }
0xbb: {  	s0 =	sor.u32 s1, s0  }
0xbc: {  	s0 =	sadd.s32 $0x8F2B, s0  }
0xbd: {  	[sflag:s0] =	ssyncadd.remote.s32 $0x1  }
0xbe: {  	_ =	sfence.sel $0xFFFF  }
0xbf: {  	[dreg:$0x0] =	wrdreg $0xFFFFFFFF;
	(pc) =	sbr.abs _section_cstart, $3  }
0xc0: {  	[dreg:$0x1] =	wrdreg $0xFFFFFFFF  }
0xc1: {  	_ =	task.clear_ibuf [dreg:s6], $0x2FFFF;
	_ =	strace $0x9FFFFFFF  }
0xc2: {  	(tm) =	ssettm $0x7FFFFFFF  }
0xc3: {  	_ =	shalt  }
tec
execute0_lowered:
.L_overlay_start_1:
0x0: {  	(tag) =	ssettag $0x1  }
0x1: {  	s5 =	rddreg [dreg:$0x0];
	s1 =	srdreg.scid  }
0x2: {  	s0 =	stileid.u32;
	s2 =	rddreg [dreg:$0x1]  }
0x3: {  	s3 =	simm.s32 $0x0;
	s21 =	simm.s32 $0x80;
	s22 =	simm.s32 $0x1  }
0x4: {  	s23 =	simm.s32 $0x0;
	s7 =	sand.u32 $0x1, s1;
	s1 =	rddreg [dreg:$0x2]  }
0x5: {  	s4 =	sshll.u32 s0, $0x1;
	[smem:$0x7FF] =	sst s3;
	s8 =	smul.u32 $0x50000, s0  }
0x6: {  	s11 =	smul.u32 $0x14000, s0;
	s16 =	sadd.s32 $0x3E600, s5;
	s4 =	sor.u32 s7, s4  }
0x7: {  	_ =	strace $0x8000004A;
	s9 =	ssub.s32 $0x2, s7;
	s19 =	smul.u32 $0x140000, s7  }
0x8: {  	s6 =	smul.u32 $0x500, s4;
	s4 =	sadd.s32 $0x16600, s5;
	s29 =	sshrl.u32 s9, $0x1  }
0x9: {  	s30 =	sshrl.u32 s8, $0x2;
	s13 =	sadd.s32 $0x4000, s11;
	s14 =	sadd.s32 $0x8000, s11  }
0xa: {  	s15 =	sadd.s32 $0xC000, s11;
	s18 =	sadd.s32 $0x10000, s11;
	s17 =	ssub.s32 s9, s29  }
0xb: {  	s7 =	sadd.s32 s14, s2;
	s8 =	sadd.s32 s15, s2;
	s9 =	sadd.s32 s18, s2  }
0xc: {  	s20 =	sadd.s32 s11, s19;
	s14 =	sadd.s32 s19, s14;
	s15 =	sadd.s32 s19, s15  }
0xd: {  	s18 =	sadd.s32 s19, s18;
	s12 =	sadd.s32 s6, s5;
	s5 =	sadd.s32 s30, s2  }
0xe: {  	s6 =	sadd.s32 s13, s2;
	s13 =	sadd.s32 s19, s13;
	s31 =	sshrl.u32 s20, $0x3  }
0xf: {  	s14 =	sshrl.u32 s14, $0x3;
	s15 =	sshrl.u32 s15, $0x3;
	s18 =	sshrl.u32 s18, $0x3  }
0x10: {  	s17 =	smax.u32 s17, $0x1;
	s19 =	simm.s32 $0x2;
	s20 =	simm.s32 $0x2800  }
0x11: {  	s10 =	sadd.s32 $0xC600, s12;
	s11 =	sadd.s32 $0x1C00, s12;
	s13 =	sshrl.u32 s13, $0x3  }
0x12: {  	s12 =	sadd.s32 s16, s31;
	s14 =	sadd.s32 s16, s14;
	s15 =	sadd.s32 s16, s15  }
0x13: {  	v0 =	vimm.f32 $0.0e+00;
	s13 =	sadd.s32 s16, s13;
	s16 =	sadd.s32 s16, s18;
	s18 =	simm.s32 $0x5000  }
.LBB2_1:
0x14: {  	s24 =	simm.s32 $0x0;
	s25 =	simm.s32 $0x200  }
.LBB2_2:
0x15: {  	p0 =	sne.s32 s25, $0xFE00;
	[tilespmem:s24+$0x5070] =	vst v0  }
0x16: {  	[tilespmem:s24+$0x5000] =	vst v0  }
0x17: {  	[tilespmem:s24+$0x5010] =	vst v0  }
.Ltmp0:
0x18: {  	[tilespmem:s24+$0x5020] =	vst v0;
	(pc) =	sbr.rel @p0 .LBB2_2-.Ltmp0, $4  }
0x19: {  	[tilespmem:s24+$0x5030] =	vst v0  }
0x1a: {  	[tilespmem:s24+$0x5040] =	vst v0  }
0x1b: {  	[tilespmem:s24+$0x5050] =	vst v0  }
0x1c: {  	[tilespmem:s24+$0x5060] =	vst v0;
	s24 =	sshra.s32 s25, $0x2;
	s25 =	sadd.s32 $0x200, s25  }
0x1d: {  	[tilespmem:s24+$0x5070] =	vst v0  }
0x1e: {  	[tilespmem:s24+$0x5000] =	vst v0  }
0x1f: {  	[tilespmem:s24+$0x5010] =	vst v0  }
0x20: {  	[tilespmem:s24+$0x5020] =	vst v0  }
0x21: {  	[tilespmem:s24+$0x5030] =	vst v0  }
0x22: {  	[tilespmem:s24+$0x5040] =	vst v0  }
0x23: {  	[tilespmem:s24+$0x5050] =	vst v0  }
0x24: {  	[tilespmem:s24+$0x5060] =	vst v0  }
0x25: {  	[spmem:s5] =	stream.linear.scatter [tilespmem:s18], [sflag:$0x2], $0x4000, $0x38;
	[tilespmem:$0x1D000] =	vst v63  }
0x26: {  	_ =	swait.ge [sflag:s19], $0x4000  }
0x27: {  	[sflag:s19] =	ssyncset.done $0x0  }
0x28: {  	[sflag:s19] =	ssyncadd.s32 $0xFFFFC000  }
0x29: {  	[spmem:s6] =	stream.linear.scatter [tilespmem:s18], [sflag:$0x2], $0x4000, $0x38;
	[tilespmem:$0x1D000] =	vst v63  }
0x2a: {  	_ =	swait.ge [sflag:s19], $0x4000  }
0x2b: {  	[sflag:s19] =	ssyncset.done $0x0  }
0x2c: {  	[sflag:s19] =	ssyncadd.s32 $0xFFFFC000  }
0x2d: {  	[spmem:s7] =	stream.linear.scatter [tilespmem:s18], [sflag:$0x2], $0x4000, $0x38;
	[tilespmem:$0x1D000] =	vst v63  }
0x2e: {  	_ =	swait.ge [sflag:s19], $0x4000  }
0x2f: {  	[sflag:s19] =	ssyncset.done $0x0  }
0x30: {  	[sflag:s19] =	ssyncadd.s32 $0xFFFFC000  }
0x31: {  	[spmem:s8] =	stream.linear.scatter [tilespmem:s18], [sflag:$0x2], $0x4000, $0x38;
	[tilespmem:$0x1D000] =	vst v63  }
0x32: {  	_ =	swait.ge [sflag:s19], $0x4000  }
0x33: {  	[sflag:s19] =	ssyncset.done $0x0  }
0x34: {  	[sflag:s19] =	ssyncadd.s32 $0xFFFFC000  }
0x35: {  	[spmem:s9] =	stream.linear.scatter [tilespmem:s18], [sflag:$0x2], $0x4000, $0x38;
	[tilespmem:$0x1D000] =	vst v63  }
0x36: {  	_ =	swait.ge [sflag:s19], $0x4000  }
0x37: {  	[sflag:s19] =	ssyncset.done $0x0  }
0x38: {  	[sflag:s19] =	ssyncadd.s32 $0xFFFFC000  }
0x39: {  	s29 =	simm.s32 $0x0;
	[bflag:$0x0] =	sbarrier.arrive $0xFFFF  }
0x3a: {  	[tilespmem:s29], [sflag:$0x2] =	stream.linear.gather [hbm4b:s10+s29], $0x2800, $0x38;
	[tilespmem:$0x1D000] =	vst v63  }
0x3b: {  	_ =	swait.ge [sflag:s19], $0x2800  }
0x3c: {  	[sflag:s19] =	ssyncset.done $0x0  }
0x3d: {  	[sflag:s19] =	ssyncadd.s32 $0xFFFFD800  }
0x3e: {  	[tilespmem:s20], [sflag:$0x2] =	stream.linear.gather [hbm4b:s11+s29], $0x2800, $0x38;
	[tilespmem:$0x1D000] =	vst v63  }
0x3f: {  	_ =	swait.ge [sflag:s19], $0x2800  }
0x40: {  	[sflag:s19] =	ssyncset.done $0x0  }
0x41: {  	s30 =	simm.s32 $0x0;
	[sflag:s19] =	ssyncadd.s32 $0xFFFFD800  }
0x42: {  	[tilespmem:s18], [sflag:$0x1] =	stream.indirect.gather [hbm4b:s4+s21], $0x80, s30, s21, $0xb8;
	[tilespmem:$0x1D000] =	vst v63  }
0x43: {  	_ =	swait.ge [sflag:s22], $0x4000  }
0x44: {  	[sflag:s22] =	ssyncset.done $0x0  }
0x45: {  	s31 =	simm.s32 $0x2800;
	[sflag:s22] =	ssyncadd.s32 $0xFFFFC000  }
0x46: {  	[spmem:s2] =	stream.indirect.scatter.add.f32 [tilespmem:s18], [sflag:$0x2], $0x80, s31, s21, $0xb8;
	[tilespmem:$0x1D000] =	vst v63  }
0x47: {  	_ =	swait.ge [sflag:s19], $0x4000  }
0x48: {  	s24 =	simm.s32 $0x200;
	s25 =	simm.s32 $0x400;
	[sflag:s19] =	ssyncset.done $0x0  }
.LBB2_4:
0x49: {  	s26 =	sshra.s32 s24, $0x2  }
0x4a: {  	[sflag:s19] =	ssyncadd.s32 $0xFFFFC000;
	s24 =	smov.u32 s25;
	s28 =	sadd.s32 $0x200, s25  }
0x4b: {  	[tilespmem:s18], [sflag:$0x1] =	stream.indirect.gather [hbm4b:s4+s21], $0x80, s26, s21, $0xb8;
	[tilespmem:$0x1D000] =	vst v63  }
0x4c: {  	p0 =	sne.s32 s25, $0x9E00;
	_ =	swait.ge [sflag:s22], $0x4000  }
.Ltmp1:
0x4d: {  	[sflag:s22] =	ssyncset.done $0x0;
	(pc) =	sbr.rel @p0 .LBB2_4-.Ltmp1, $4  }
0x4e: {  	s25 =	sadd.s32 $0x2800, s26;
	[sflag:s22] =	ssyncadd.s32 $0xFFFFC000  }
0x4f: {  	[spmem:s2] =	stream.indirect.scatter.add.f32 [tilespmem:s18], [sflag:$0x2], $0x80, s25, s21, $0xb8;
	[tilespmem:$0x1D000] =	vst v63  }
0x50: {  	_ =	swait.ge [sflag:s19], $0x4000  }
0x51: {  	s25 =	smov.u32 s28;
	[sflag:s19] =	ssyncset.done $0x0  }
0x52: {  	s24 =	sshra.s32 s24, $0x2;
	[sflag:s19] =	ssyncadd.s32 $0xFFFFC000  }
0x53: {  	[tilespmem:s18], [sflag:$0x1] =	stream.indirect.gather [hbm4b:s4+s21], $0x80, s24, s21, $0xb8;
	[tilespmem:$0x1D000] =	vst v63  }
0x54: {  	_ =	swait.ge [sflag:s22], $0x4000  }
0x55: {  	[sflag:s22] =	ssyncset.done $0x0  }
0x56: {  	s24 =	sadd.s32 $0x2800, s24;
	[sflag:s22] =	ssyncadd.s32 $0xFFFFC000  }
0x57: {  	[spmem:s2] =	stream.indirect.scatter.add.f32 [tilespmem:s18], [sflag:$0x2], $0x80, s24, s21, $0xb8;
	[tilespmem:$0x1D000] =	vst v63  }
0x58: {  	_ =	swait.ge [sflag:s19], $0x4000  }
0x59: {  	[sflag:s19] =	ssyncset.done $0x0  }
0x5a: {  	[sflag:s19] =	ssyncadd.s32 $0xFFFFC000  }
0x5b: {  	[bflag:$0x0] =	sbarrier.arrive $0xFFFF  }
0x5c: {  	[tilespmem:s18], [sflag:$0x2] =	stream.linear.gather [spmem:s5], $0x4000, $0x38;
	[tilespmem:$0x1D000] =	vst v63  }
0x5d: {  	_ =	swait.ge [sflag:s19], $0x4000  }
0x5e: {  	[sflag:s19] =	ssyncset.done $0x0  }
0x5f: {  	[sflag:s19] =	ssyncadd.s32 $0xFFFFC000  }
0x60: {  	[hbm4b:s12+s3] =	stream.linear.scatter [tilespmem:s18], [sflag:$0x2], $0x4000, $0x38;
	[tilespmem:$0x1D000] =	vst v63  }
0x61: {  	_ =	swait.ge [sflag:s19], $0x4000  }
0x62: {  	[sflag:s19] =	ssyncset.done $0x0  }
0x63: {  	[sflag:s19] =	ssyncadd.s32 $0xFFFFC000  }
0x64: {  	[tilespmem:s18], [sflag:$0x2] =	stream.linear.gather [spmem:s6], $0x4000, $0x38;
	[tilespmem:$0x1D000] =	vst v63  }
0x65: {  	_ =	swait.ge [sflag:s19], $0x4000  }
0x66: {  	[sflag:s19] =	ssyncset.done $0x0  }
0x67: {  	[sflag:s19] =	ssyncadd.s32 $0xFFFFC000  }
0x68: {  	[hbm4b:s13+s3] =	stream.linear.scatter [tilespmem:s18], [sflag:$0x2], $0x4000, $0x38;
	[tilespmem:$0x1D000] =	vst v63  }
0x69: {  	_ =	swait.ge [sflag:s19], $0x4000  }
0x6a: {  	[sflag:s19] =	ssyncset.done $0x0  }
0x6b: {  	[sflag:s19] =	ssyncadd.s32 $0xFFFFC000  }
0x6c: {  	[tilespmem:s18], [sflag:$0x2] =	stream.linear.gather [spmem:s7], $0x4000, $0x38;
	[tilespmem:$0x1D000] =	vst v63  }
0x6d: {  	_ =	swait.ge [sflag:s19], $0x4000  }
0x6e: {  	[sflag:s19] =	ssyncset.done $0x0  }
0x6f: {  	[sflag:s19] =	ssyncadd.s32 $0xFFFFC000  }
0x70: {  	[hbm4b:s14+s3] =	stream.linear.scatter [tilespmem:s18], [sflag:$0x2], $0x4000, $0x38;
	[tilespmem:$0x1D000] =	vst v63  }
0x71: {  	_ =	swait.ge [sflag:s19], $0x4000  }
0x72: {  	[sflag:s19] =	ssyncset.done $0x0  }
0x73: {  	[sflag:s19] =	ssyncadd.s32 $0xFFFFC000  }
0x74: {  	[tilespmem:s18], [sflag:$0x2] =	stream.linear.gather [spmem:s8], $0x4000, $0x38;
	[tilespmem:$0x1D000] =	vst v63  }
0x75: {  	_ =	swait.ge [sflag:s19], $0x4000  }
0x76: {  	[sflag:s19] =	ssyncset.done $0x0  }
0x77: {  	[sflag:s19] =	ssyncadd.s32 $0xFFFFC000  }
0x78: {  	[hbm4b:s15+s3] =	stream.linear.scatter [tilespmem:s18], [sflag:$0x2], $0x4000, $0x38;
	[tilespmem:$0x1D000] =	vst v63  }
0x79: {  	_ =	swait.ge [sflag:s19], $0x4000  }
0x7a: {  	[sflag:s19] =	ssyncset.done $0x0  }
0x7b: {  	[sflag:s19] =	ssyncadd.s32 $0xFFFFC000  }
0x7c: {  	[tilespmem:s18], [sflag:$0x2] =	stream.linear.gather [spmem:s9], $0x4000, $0x38;
	[tilespmem:$0x1D000] =	vst v63  }
0x7d: {  	s23 =	sadd.s32 $0x1, s23;
	_ =	swait.ge [sflag:s19], $0x4000  }
0x7e: {  	p0 =	sne.s32 s23, s17;
	[sflag:s19] =	ssyncset.done $0x0  }
.Ltmp2:
0x7f: {  	[sflag:s19] =	ssyncadd.s32 $0xFFFFC000;
	(pc) =	sbr.rel @p0 .LBB2_1-.Ltmp2, $4  }
0x80: {  	[hbm4b:s16+s3] =	stream.linear.scatter [tilespmem:s18], [sflag:$0x2], $0x4000, $0x38;
	[tilespmem:$0x1D000] =	vst v63  }
0x81: {  	_ =	swait.ge [sflag:s19], $0x4000  }
0x82: {  	[sflag:s19] =	ssyncset.done $0x0  }
0x83: {  	[sflag:s19] =	ssyncadd.s32 $0xFFFFC000  }
0x84: {  	_ =	sfence.sel $0x180000  }
0x85: {  	[bflag:$0x0] =	sbarrier.arrive $0xFFFF  }
0x86: {  	p0 =	sne.s32 s0, $0x0;
	_ =	strace $0x9000004A  }
0x87: {  	s0 =	sadd.s32 @!p0 $0x100000, s1;
	[bflag:$0x2] =	sbarrier.arrive $0xFFFF  }
0x88: {  	[sflag:s0] =	ssyncadd.tile.s32 @!p0 $0x1;
	_ =	shalt  }
.Lfunc_end2:
_tile_overlayer_lowered:
.L_overlay_start_2:
0x89: {  	(tag) =	ssettag $0x2  }
0x8a: {  	s0 =	rddreg [dreg:$0x0];
	s2 =	stileid.u32  }
0x8b: {  	s1 =	rddreg [dreg:$0x1];
	p0 =	sne.s32 s2, $0x0  }
0x8c: {  	s3 =	rddreg [dreg:$0x2];
	[bflag:$0x3] =	sbarrier.arrive $0xFFFF;
	s2 =	simm.s32 @!p0 $0x1C02  }
0x8d: {  	[timem:s3], [sflag:s2] =	dma.local @!p0 [hbm:s0], s1  }
0x8e: {  	s0 =	simm.s32 @!p0 $0x2  }
0x8f: {  	_ =	swait.ge @!p0 [sflag:s0], s1  }
0x90: {  	s1 =	ssub.s32 @!p0 $0x0, s1;
	[sflag:s0] =	ssyncset.done @!p0 $0x0  }
0x91: {  	[sflag:s0] =	ssyncadd.s32 @!p0 s1  }
0x92: {  	[bflag:$0x3] =	sbarrier.arrive $0xFFFF  }
0x93: {  	_ =	shalt  }

</sc_bundles>
